<compile_context>
chip_gen: v7x
topology: tpu7x:2x2x1
jax: 0.10.2.dev20260603
libtpu: 0.0.44.dev20260713+nightly
codegen_flags: <defaults>
</compile_context>

<pallas_src>
import functools
import math

import jax
import jax.numpy as jnp
from jax import lax
from jax.experimental import pallas as pl
from jax.experimental.pallas import tpu as pltpu
from jax.experimental.pallas import tpu_sc as plsc

B = 2048
IN_DIM = 1024
N_SUPER = 2
N_SUB = 2
E = 4
HID = 2048
OUT = 512
AUX_COEF = 0.01

BT = 512
NT = B // BT
BTE = 512
LP = B + BTE
NSLOT = 2 * LP
NTE = NSLOT // BTE

NW = 32
TPW = B // NW

_mesh = plsc.VectorSubcoreMesh(core_axis_name="c", subcore_axis_name="s")


def _gating_body(x_ref, cgw1_ref, cgb1_ref, cgw2_ref, cgb2_ref,
                 fgw_ref, fgb_ref,
                 leaf_ref, aux_ref, w0_ref, w1_ref, pos0_ref, pos1_ref,
                 eot_ref, xpack_ref, acc_ref, ab0_ref, ab1_ref, cum00_ref,
                 cum10_ref):
    i = pl.program_id(0)
    x = x_ref[...]
    xb16 = x.astype(jnp.bfloat16)
    lo_u = lax.bitcast_convert_type(xb16[:, :IN_DIM // 2],
                                    jnp.uint16).astype(jnp.uint32)
    hi_u = lax.bitcast_convert_type(xb16[:, IN_DIM // 2:],
                                    jnp.uint16).astype(jnp.uint32)
    xpack_ref[...] = lax.bitcast_convert_type(lo_u | (hi_u << 16), jnp.int32)
    h = lax.dot_general(x, cgw1_ref[...], (((1,), (1,)), ((), ())),
                        preferred_element_type=jnp.float32)
    h = jnp.maximum(h + cgb1_ref[...], 0.0)
    cl = lax.dot_general(h, cgw2_ref[...], (((1,), (1,)), ((), ())),
                         preferred_element_type=jnp.float32)
    cl = cl + cgb2_ref[...]
    m = jnp.max(cl, axis=1, keepdims=True)
    ex = jnp.exp(cl - m)
    cw = ex / jnp.sum(ex, axis=1, keepdims=True)
    ohc0 = (cl[:, 0:1] >= cl[:, 1:2]).astype(jnp.float32)

    x_aug = jnp.concatenate([x, cw], axis=1)
    fl = (lax.dot_general(x_aug, fgw_ref[...], (((1,), (1,)), ((), ())),
                          preferred_element_type=jnp.float32)
          + fgb_ref[...])
    oh0 = (fl[:, 0:1] >= fl[:, 1:2]).astype(jnp.float32)
    oh1 = (fl[:, 2:3] >= fl[:, 3:4]).astype(jnp.float32)

    m0 = jnp.maximum(fl[:, 0:1], fl[:, 1:2])
    p00 = jnp.exp(fl[:, 0:1] - m0) / (jnp.exp(fl[:, 0:1] - m0)
                                      + jnp.exp(fl[:, 1:2] - m0))
    m1 = jnp.maximum(fl[:, 2:3], fl[:, 3:4])
    p10 = jnp.exp(fl[:, 2:3] - m1) / (jnp.exp(fl[:, 2:3] - m1)
                                      + jnp.exp(fl[:, 3:4] - m1))

    c0 = cw[:, 0:1] * oh0
    c1 = cw[:, 0:1] * (1.0 - oh0)
    c2 = cw[:, 1:2] * oh1
    c3 = cw[:, 1:2] * (1.0 - oh1)
    den = (cw[:, 0:1] + cw[:, 1:2]) + 1e-8
    leaf_ref[...] = jnp.concatenate([c0, c1, c2, c3], axis=1) / den
    w0_ref[...] = cw[:, 0:1] / den
    w1_ref[...] = cw[:, 1:2] / den
    sl = pl.ds(i * BT, BT)
    ab0_ref[sl, :] = 1.0 - oh0
    ab1_ref[sl, :] = 1.0 - oh1

    tri = (lax.broadcasted_iota(jnp.int32, (BT, BT), 0)
           >= lax.broadcasted_iota(jnp.int32, (BT, BT), 1)).astype(
               jnp.float32)
    tc0 = lax.dot_general(tri, oh0, (((1,), (0,)), ((), ())),
                          preferred_element_type=jnp.float32)
    tc1 = lax.dot_general(tri, oh1, (((1,), (0,)), ((), ())),
                          preferred_element_type=jnp.float32)

    @pl.when(i == 0)
    def _init():
        for j in range(8):
            acc_ref[j] = 0.0

    cum00_ref[sl, :] = tc0 + acc_ref[6]
    cum10_ref[sl, :] = tc1 + acc_ref[7]
    acc_ref[6] += jnp.sum(oh0)
    acc_ref[7] += jnp.sum(oh1)

    acc_ref[0] += jnp.sum(ohc0)
    acc_ref[1] += jnp.sum(cw[:, 0:1])
    acc_ref[2] += jnp.sum(oh0)
    acc_ref[3] += jnp.sum(p00)
    acc_ref[4] += jnp.sum(oh1)
    acc_ref[5] += jnp.sum(p10)

    @pl.when(i == NT - 1)
    def _finalize():
        nb = jnp.float32(B)
        fc0 = acc_ref[0] / nb
        pc0 = acc_ref[1] / nb
        aux_c = 2.0 * (fc0 * pc0 + (1.0 - fc0) * (1.0 - pc0))
        f00 = acc_ref[2] / nb
        p00s = acc_ref[3] / nb
        f10 = acc_ref[4] / nb
        p10s = acc_ref[5] / nb
        aux_f = (2.0 * (f00 * p00s + (1.0 - f00) * (1.0 - p00s))
                 + 2.0 * (f10 * p10s + (1.0 - f10) * (1.0 - p10s)))
        aux_ref[...] = (AUX_COEF * (aux_c + aux_f / N_SUPER)).reshape(1, 1)

        tglob1 = (lax.broadcasted_iota(jnp.int32, (B, 1), 0)
                  .astype(jnp.float32) + 1.0)

        def route(ab, cum_ref, n0):
            a = ab[...]
            cum0 = cum_ref[...]
            n0p = jnp.floor((n0 + (BTE - 1)) * (1.0 / BTE)) * BTE
            cum1 = tglob1 - cum0
            pos = jnp.where(a == 0.0, cum0 - 1.0, n0p + cum1 - 1.0)
            return pos, n0p

        pos0, n0p0 = route(ab0_ref, cum00_ref, acc_ref[6])
        pos1, n0p1 = route(ab1_ref, cum10_ref, acc_ref[7])
        pos0_ref[...] = pos0.astype(jnp.int32)
        pos1_ref[...] = (pos1 + LP).astype(jnp.int32)

        t = lax.broadcasted_iota(jnp.int32, (1, 32), 1).astype(jnp.float32)
        e_g0 = jnp.where(t * BTE < n0p0, 0.0, 1.0)
        e_g1 = jnp.where((t - NTE // 2) * BTE < n0p1, 2.0, 3.0)
        eot = jnp.where(t < NTE // 2, e_g0,
                        jnp.where(t < NTE, e_g1, 0.0))
        eot_ref[...] = eot.astype(jnp.int32)


@functools.partial(
    pl.kernel, mesh=_mesh,
    out_type=jax.ShapeDtypeStruct((NSLOT, IN_DIM // 2), jnp.int32),
    scratch_types=[
        pltpu.VMEM((TPW, IN_DIM // 2), jnp.int32),
        pltpu.VMEM((TPW,), jnp.int32),
        pltpu.VMEM((TPW,), jnp.int32),
        pltpu.SemaphoreType.DMA,
    ],
)
def _sc_scatter(x_hbm, pos0_hbm, pos1_hbm, xp_hbm,
                rows_v, idx0_v, idx1_v, sem):
    wid = lax.axis_index("s") * 2 + lax.axis_index("c")
    base = wid * TPW
    pltpu.sync_copy(x_hbm.at[pl.ds(base, TPW)], rows_v)
    pltpu.sync_copy(pos0_hbm.at[pl.ds(base, TPW)], idx0_v)
    pltpu.sync_copy(pos1_hbm.at[pl.ds(base, TPW)], idx1_v)
    c0 = pltpu.async_copy(rows_v, xp_hbm.at[idx0_v], sem)
    c1 = pltpu.async_copy(rows_v, xp_hbm.at[idx1_v], sem)
    c0.wait()
    c1.wait()


def _expert_body(eot_ref, xp_ref, w1_ref, b1_ref, w2_ref, b2_ref,
                 g_ref, beta_ref, rhw_ref, chw_ref, prs_ref, drs_ref):
    u = lax.bitcast_convert_type(xp_ref[...], jnp.uint32)
    lo = lax.bitcast_convert_type((u & 0xffff).astype(jnp.uint16),
                                  jnp.bfloat16)
    hi = lax.bitcast_convert_type((u >> 16).astype(jnp.uint16),
                                  jnp.bfloat16)
    x = jnp.concatenate([lo, hi], axis=1).astype(jnp.float32)
    hh = lax.dot_general(x, w1_ref[0], (((1,), (1,)), ((), ())),
                         preferred_element_type=jnp.float32)
    hh = hh + b1_ref[0]
    hh = 0.5 * hh * (1.0 + lax.erf(hh * (1.0 / math.sqrt(2.0))))
    eo = lax.dot_general(hh, w2_ref[0], (((1,), (1,)), ((), ())),
                         preferred_element_type=jnp.float32)
    eo = eo + b2_ref[0]
    mu = jnp.mean(eo, axis=1, keepdims=True)
    d = eo - mu
    var = jnp.mean(d * d, axis=1, keepdims=True)
    rstd = lax.rsqrt(var + 1e-5)
    eon = d * rstd * g_ref[0] + beta_ref[0]
    prs_ref[...] = lax.dot_general(eon, rhw_ref[...], (((1,), (1,)), ((), ())),
                                   preferred_element_type=jnp.float32)
    drs_ref[...] = lax.dot_general(eon, chw_ref[...], (((1,), (1,)), ((), ())),
                                   preferred_element_type=jnp.float32)


@functools.partial(
    pl.kernel, mesh=_mesh,
    out_type=[
        jax.ShapeDtypeStruct((B,), jnp.float32),
        jax.ShapeDtypeStruct((B,), jnp.float32),
    ],
    scratch_types=[
        pltpu.VMEM((TPW,), jnp.int32),
        pltpu.VMEM((TPW,), jnp.int32),
        pltpu.VMEM((TPW,), jnp.float32),
        pltpu.VMEM((TPW,), jnp.float32),
        pltpu.VMEM((32,), jnp.float32),
        pltpu.VMEM((TPW,), jnp.float32),
        pltpu.VMEM((TPW,), jnp.float32),
        pltpu.VMEM((TPW,), jnp.float32),
        pltpu.VMEM((TPW,), jnp.float32),
        pltpu.VMEM((TPW,), jnp.float32),
        pltpu.VMEM((TPW,), jnp.float32),
        pltpu.SemaphoreType.DMA,
    ],
)
def _sc_combine(prs_hbm, drs_hbm, pos0_hbm, pos1_hbm, w0_hbm, w1_hbm,
                bias_hbm, price_hbm, dir_hbm,
                idx0_v, idx1_v, w0_v, w1_v, bias_v,
                p0_v, p1_v, d0_v, d1_v, pout_v, dout_v, sem):
    wid = lax.axis_index("s") * 2 + lax.axis_index("c")
    base = wid * TPW
    pltpu.sync_copy(pos0_hbm.at[pl.ds(base, TPW)], idx0_v)
    pltpu.sync_copy(pos1_hbm.at[pl.ds(base, TPW)], idx1_v)
    pltpu.sync_copy(w0_hbm.at[pl.ds(base, TPW)], w0_v)
    pltpu.sync_copy(w1_hbm.at[pl.ds(base, TPW)], w1_v)
    pltpu.sync_copy(bias_hbm, bias_v)
    g0 = pltpu.async_copy(prs_hbm.at[idx0_v], p0_v, sem)
    g1 = pltpu.async_copy(prs_hbm.at[idx1_v], p1_v, sem)
    g2 = pltpu.async_copy(drs_hbm.at[idx0_v], d0_v, sem)
    g3 = pltpu.async_copy(drs_hbm.at[idx1_v], d1_v, sem)
    g0.wait()
    g1.wait()
    g2.wait()
    g3.wait()
    rb = bias_v[pl.ds(0, 16)]
    cb = bias_v[pl.ds(16, 16)]
    for j in range(TPW // 16):
        sl = pl.ds(j * 16, 16)
        a = w0_v[sl]
        bw = w1_v[sl]
        pout_v[sl] = a * p0_v[sl] + bw * p1_v[sl] + rb
        z = a * d0_v[sl] + bw * d1_v[sl] + cb
        dout_v[sl] = 1.0 / (1.0 + jnp.exp(-z))
    pltpu.sync_copy(pout_v, price_hbm.at[pl.ds(base, TPW)])
    pltpu.sync_copy(dout_v, dir_hbm.at[pl.ds(base, TPW)])


@jax.jit
def kernel(x, cg_w1, cg_b1, cg_w2, cg_b2, fg_w, fg_b, ex_w1, ex_b1,
           ex_w2, ex_b2, ex_g, ex_beta, rh_w, rh_b, ch_w, ch_b):
    f32 = jnp.float32
    fg_w2d = fg_w.reshape(E, IN_DIM + N_SUPER)
    leaf, aux, w0, w1, pos0, pos1, eot, xpack = pl.pallas_call(
        _gating_body,
        grid=(NT,),
        in_specs=[
            pl.BlockSpec((BT, IN_DIM), lambda i: (i, 0)),
            pl.BlockSpec((IN_DIM // 2, IN_DIM), lambda i: (0, 0)),
            pl.BlockSpec((1, IN_DIM // 2), lambda i: (0, 0)),
            pl.BlockSpec((N_SUPER, IN_DIM // 2), lambda i: (0, 0)),
            pl.BlockSpec((1, N_SUPER), lambda i: (0, 0)),
            pl.BlockSpec((E, IN_DIM + N_SUPER), lambda i: (0, 0)),
            pl.BlockSpec((1, E), lambda i: (0, 0)),
        ],
        out_specs=[
            pl.BlockSpec((BT, E), lambda i: (i, 0)),
            pl.BlockSpec((1, 1), lambda i: (0, 0)),
            pl.BlockSpec((BT, 1), lambda i: (i, 0)),
            pl.BlockSpec((BT, 1), lambda i: (i, 0)),
            pl.BlockSpec((B, 1), lambda i: (0, 0)),
            pl.BlockSpec((B, 1), lambda i: (0, 0)),
            pl.BlockSpec((1, 32), lambda i: (0, 0)),
            pl.BlockSpec((BT, IN_DIM // 2), lambda i: (i, 0)),
        ],
        out_shape=[
            jax.ShapeDtypeStruct((B, E), f32),
            jax.ShapeDtypeStruct((1, 1), f32),
            jax.ShapeDtypeStruct((B, 1), f32),
            jax.ShapeDtypeStruct((B, 1), f32),
            jax.ShapeDtypeStruct((B, 1), jnp.int32),
            jax.ShapeDtypeStruct((B, 1), jnp.int32),
            jax.ShapeDtypeStruct((1, 32), jnp.int32),
            jax.ShapeDtypeStruct((B, IN_DIM // 2), jnp.int32),
        ],
        scratch_shapes=[
            pltpu.SMEM((8,), f32),
            pltpu.VMEM((B, 1), f32),
            pltpu.VMEM((B, 1), f32),
            pltpu.VMEM((B, 1), f32),
            pltpu.VMEM((B, 1), f32),
        ],
    )(x, cg_w1, cg_b1.reshape(1, -1), cg_w2, cg_b2.reshape(1, -1),
      fg_w2d, fg_b.reshape(1, E))

    pos0_1 = pos0.reshape(B)
    pos1_1 = pos1.reshape(B)
    x_perm = _sc_scatter(xpack, pos0_1, pos1_1)

    grid_spec = pltpu.PrefetchScalarGridSpec(
        num_scalar_prefetch=1,
        grid=(NTE,),
        in_specs=[
            pl.BlockSpec((BTE, IN_DIM // 2), lambda t, eot: (t, 0)),
            pl.BlockSpec((1, HID, IN_DIM), lambda t, eot: (eot[t], 0, 0)),
            pl.BlockSpec((1, 1, HID), lambda t, eot: (eot[t], 0, 0)),
            pl.BlockSpec((1, OUT, HID), lambda t, eot: (eot[t], 0, 0)),
            pl.BlockSpec((1, 1, OUT), lambda t, eot: (eot[t], 0, 0)),
            pl.BlockSpec((1, 1, OUT), lambda t, eot: (eot[t], 0, 0)),
            pl.BlockSpec((1, 1, OUT), lambda t, eot: (eot[t], 0, 0)),
            pl.BlockSpec((1, OUT), lambda t, eot: (0, 0)),
            pl.BlockSpec((1, OUT), lambda t, eot: (0, 0)),
        ],
        out_specs=[
            pl.BlockSpec((BTE, 1), lambda t, eot: (t, 0)),
            pl.BlockSpec((BTE, 1), lambda t, eot: (t, 0)),
        ],
    )
    prs, drs = pl.pallas_call(
        _expert_body,
        grid_spec=grid_spec,
        out_shape=[
            jax.ShapeDtypeStruct((NSLOT, 1), f32),
            jax.ShapeDtypeStruct((NSLOT, 1), f32),
        ],
    )(eot.reshape(32), x_perm, ex_w1, ex_b1.reshape(E, 1, HID), ex_w2,
      ex_b2.reshape(E, 1, OUT), ex_g.reshape(E, 1, OUT),
      ex_beta.reshape(E, 1, OUT), rh_w, ch_w)

    bias_arr = jnp.concatenate([
        jnp.broadcast_to(rh_b.reshape(1), (16,)),
        jnp.broadcast_to(ch_b.reshape(1), (16,)),
    ]).astype(f32)
    price, direction = _sc_combine(
        prs.reshape(NSLOT), drs.reshape(NSLOT), pos0_1, pos1_1,
        w0.reshape(B), w1.reshape(B), bias_arr)

    return price.reshape(B, 1), direction.reshape(B, 1), leaf, aux.reshape(())

# --- scband reference (transcript-rebuilt; emitter-appended) ---
"""Pipeline reference for scband-hmo-e-17729624998168 (READ-ONLY COPY).

The authoritative reference and input builder live on the scoring server;
editing this copy changes nothing except your own understanding.
"""

import jax, jax.numpy as jnp
import numpy as np

B = 2048
IN_DIM = 1024
N_SUPER = 2
N_SUB = 2
E = N_SUPER * N_SUB
HID = 2048
OUT = 512
TOPK = 2
AUX_COEF = 0.01
NEG = -1e9


def setup_inputs(seed: int = 0) -> dict:
    key = jax.random.key(seed)
    ks = jax.random.split(key, 20)
    s = 0.02
    inp = {}
    inp['x'] = jax.random.normal(ks[0], (B, IN_DIM), dtype=jnp.float32)
    inp['cg_w1'] = jax.random.normal(ks[1], (IN_DIM // 2, IN_DIM), dtype=jnp.float32) * s
    inp['cg_b1'] = jnp.zeros((IN_DIM // 2,), dtype=jnp.float32)
    inp['cg_w2'] = jax.random.normal(ks[2], (N_SUPER, IN_DIM // 2), dtype=jnp.float32) * s
    inp['cg_b2'] = jnp.zeros((N_SUPER,), dtype=jnp.float32)
    inp['fg_w'] = jax.random.normal(ks[3], (N_SUPER, N_SUB, IN_DIM + N_SUPER), dtype=jnp.float32) * s
    inp['fg_b'] = jnp.zeros((N_SUPER, N_SUB), dtype=jnp.float32)
    inp['ex_w1'] = jax.random.normal(ks[4], (E, HID, IN_DIM), dtype=jnp.float32) * s
    inp['ex_b1'] = jnp.zeros((E, HID), dtype=jnp.float32)
    inp['ex_w2'] = jax.random.normal(ks[5], (E, OUT, HID), dtype=jnp.float32) * s
    inp['ex_b2'] = jnp.zeros((E, OUT), dtype=jnp.float32)
    inp['ex_g'] = jnp.ones((E, OUT), dtype=jnp.float32)
    inp['ex_beta'] = jnp.zeros((E, OUT), dtype=jnp.float32)
    inp['rh_w'] = jax.random.normal(ks[6], (1, OUT), dtype=jnp.float32) * s
    inp['rh_b'] = jnp.zeros((1,), dtype=jnp.float32)
    inp['ch_w'] = jax.random.normal(ks[7], (1, OUT), dtype=jnp.float32) * s
    inp['ch_b'] = jnp.zeros((1,), dtype=jnp.float32)
    return inp


def _topk_gate(logits, k):
    vals, idx = jax.lax.top_k(logits, k)
    rows = jnp.arange(logits.shape[0])[:, None]
    sparse = jnp.full_like(logits, NEG).at[rows, idx].set(vals)
    w = jax.nn.softmax(sparse, axis=-1)
    n = logits.shape[-1]
    top1 = jnp.argmax(logits, axis=-1)
    f = jnp.mean(jax.nn.one_hot(top1, n, dtype=logits.dtype), axis=0)
    p = jnp.mean(jax.nn.softmax(logits, axis=-1), axis=0)
    aux = n * jnp.sum(f * p)
    return w, aux


def reference(x, cg_w1, cg_b1, cg_w2, cg_b2, fg_w, fg_b, ex_w1, ex_b1, ex_w2, ex_b2, ex_g, ex_beta, rh_w, rh_b, ch_w, ch_b):
    h = jax.nn.relu(x @ cg_w1.T + cg_b1)
    coarse_logits = h @ cg_w2.T + cg_b2
    coarse_w, coarse_aux = _topk_gate(coarse_logits, N_SUPER)
    x_aug = jnp.concatenate([x, jax.lax.stop_gradient(coarse_w)], axis=-1)
    fine_ws = []
    fine_aux = jnp.float32(0.0)
    for s in range(N_SUPER):
        fl = x_aug @ fg_w[s].T + fg_b[s]
        fw, fa = _topk_gate(fl, 1)
        fine_ws.append(fw)
        fine_aux = fine_aux + fa
    leaf = jnp.concatenate([coarse_w[:, s:s + 1] * fine_ws[s] for s in range(N_SUPER)], axis=-1)
    if TOPK < E:
        vals, idx = jax.lax.top_k(leaf, TOPK)
        rows = jnp.arange(leaf.shape[0])[:, None]
        sparse = jnp.zeros_like(leaf).at[rows, idx].set(vals)
        leaf = sparse / (jnp.sum(sparse, axis=-1, keepdims=True) + 1e-8)
    hh = jax.nn.gelu(jnp.einsum('bi,ehi->beh', x, ex_w1) + ex_b1[None], approximate=False)
    eo = jnp.einsum('beh,eoh->beo', hh, ex_w2) + ex_b2[None]
    mu = jnp.mean(eo, axis=-1, keepdims=True)
    var = jnp.var(eo, axis=-1, keepdims=True)
    eo = (eo - mu) / jnp.sqrt(var + 1e-5) * ex_g[None] + ex_beta[None]
    fused = jnp.sum(leaf[..., None] * eo, axis=1)
    price = fused @ rh_w.T + rh_b
    direction = jax.nn.sigmoid(fused @ ch_w.T + ch_b)
    aux = AUX_COEF * (coarse_aux + fine_aux / N_SUPER)
    return price, direction, leaf, aux

if __name__ == "__main__":
    import jax
    _d = setup_inputs()
    print(jax.jit(kernel)(*tuple(_d.values())))

</pallas_src>

<mosaic_0001>
#map = affine_map<(d0, d1) -> (0)>
module attributes {stable_mosaic.version = 14 : i64} {
  func.func @_sc_combine(%arg0: i32, %arg1: i32, %arg2: memref<5120xf32, #tpu.memory_space<hbm>>, %arg3: memref<5120xf32, #tpu.memory_space<hbm>>, %arg4: memref<2048xi32, #tpu.memory_space<hbm>>, %arg5: memref<2048xi32, #tpu.memory_space<hbm>>, %arg6: memref<2048xf32, #tpu.memory_space<hbm>>, %arg7: memref<2048xf32, #tpu.memory_space<hbm>>, %arg8: memref<32xf32, #tpu.memory_space<hbm>>, %arg9: memref<2048xf32, #tpu.memory_space<hbm>>, %arg10: memref<2048xf32, #tpu.memory_space<hbm>>, %arg11: memref<64xi32, #tpu.memory_space<vmem>>, %arg12: memref<64xi32, #tpu.memory_space<vmem>>, %arg13: memref<64xf32, #tpu.memory_space<vmem>>, %arg14: memref<64xf32, #tpu.memory_space<vmem>>, %arg15: memref<32xf32, #tpu.memory_space<vmem>>, %arg16: memref<64xf32, #tpu.memory_space<vmem>>, %arg17: memref<64xf32, #tpu.memory_space<vmem>>, %arg18: memref<64xf32, #tpu.memory_space<vmem>>, %arg19: memref<64xf32, #tpu.memory_space<vmem>>, %arg20: memref<64xf32, #tpu.memory_space<vmem>>, %arg21: memref<64xf32, #tpu.memory_space<vmem>>, %arg22: memref<!tpu.dma_semaphore, #tpu.memory_space<semaphore_mem>>) attributes {dimension_semantics = [#tpu.dimension_semantics<core_parallel>, #tpu.dimension_semantics<subcore_parallel>], iteration_bounds = array<i64: 2, 16>, scalar_prefetch = 0 : i64, scratch_operands = 12 : i64, tpu.core_type = #tpu.core_type<sc_vector_subcore>, window_params = [{transform_indices = #map}, {transform_indices = #map}, {transform_indices = #map}, {transform_indices = #map}, {transform_indices = #map}, {transform_indices = #map}, {transform_indices = #map}, {transform_indices = #map}, {transform_indices = #map}]} {
    %mul3A = arith.constant 2 : i32
    %mul3A_0 = arith.muli %arg1, %mul3A : i32
    %add3A = arith.addi %mul3A_0, %arg0 : i32
    %mul3A_1 = arith.constant 64 : i32
    %mul3A_2 = arith.muli %add3A, %mul3A_1 : i32
    "tpu.region"() ({
      %run_scoped3A = tpu.sem_alloc : memref<!tpu.dma_semaphore, #tpu.memory_space<semaphore_mem>>
      %dma_start3A_194 = tpu.memref_slice %arg4[%mul3A_2] : memref<2048xi32, #tpu.memory_space<hbm>> -> memref<64xi32, #tpu.memory_space<hbm>>
      %dma_start3A_195 = tpu.memref_slice %arg4[%mul3A_2] : memref<2048xi32, #tpu.memory_space<hbm>> -> memref<64xi32, #tpu.memory_space<hbm>>
      tpu.enqueue_dma source(%dma_start3A_195 : memref<64xi32, #tpu.memory_space<hbm>>) target(%arg11 : memref<64xi32, #tpu.memory_space<vmem>>) target_semaphore(%run_scoped3A : memref<!tpu.dma_semaphore, #tpu.memory_space<semaphore_mem>>)
      %dma_wait3A_196 = tpu.memref_slice %arg4[%mul3A_2] : memref<2048xi32, #tpu.memory_space<hbm>> -> memref<64xi32, #tpu.memory_space<hbm>>
      %dma_wait3A_197 = tpu.memref_slice %arg4[%mul3A_2] : memref<2048xi32, #tpu.memory_space<hbm>> -> memref<64xi32, #tpu.memory_space<hbm>>
      tpu.wait_dma2 semaphore(%run_scoped3A : memref<!tpu.dma_semaphore, #tpu.memory_space<semaphore_mem>>) src(%dma_wait3A_197 : memref<64xi32, #tpu.memory_space<hbm>>) dst(%arg11 : memref<64xi32, #tpu.memory_space<vmem>>)
      tpu.yield
    }) : () -> ()
    "tpu.region"() ({
      %run_scoped3A = tpu.sem_alloc : memref<!tpu.dma_semaphore, #tpu.memory_space<semaphore_mem>>
      %dma_start3A_194 = tpu.memref_slice %arg5[%mul3A_2] : memref<2048xi32, #tpu.memory_space<hbm>> -> memref<64xi32, #tpu.memory_space<hbm>>
      %dma_start3A_195 = tpu.memref_slice %arg5[%mul3A_2] : memref<2048xi32, #tpu.memory_space<hbm>> -> memref<64xi32, #tpu.memory_space<hbm>>
      tpu.enqueue_dma source(%dma_start3A_195 : memref<64xi32, #tpu.memory_space<hbm>>) target(%arg12 : memref<64xi32, #tpu.memory_space<vmem>>) target_semaphore(%run_scoped3A : memref<!tpu.dma_semaphore, #tpu.memory_space<semaphore_mem>>)
      %dma_wait3A_196 = tpu.memref_slice %arg5[%mul3A_2] : memref<2048xi32, #tpu.memory_space<hbm>> -> memref<64xi32, #tpu.memory_space<hbm>>
      %dma_wait3A_197 = tpu.memref_slice %arg5[%mul3A_2] : memref<2048xi32, #tpu.memory_space<hbm>> -> memref<64xi32, #tpu.memory_space<hbm>>
      tpu.wait_dma2 semaphore(%run_scoped3A : memref<!tpu.dma_semaphore, #tpu.memory_space<semaphore_mem>>) src(%dma_wait3A_197 : memref<64xi32, #tpu.memory_space<hbm>>) dst(%arg12 : memref<64xi32, #tpu.memory_space<vmem>>)
      tpu.yield
    }) : () -> ()
    "tpu.region"() ({
      %run_scoped3A = tpu.sem_alloc : memref<!tpu.dma_semaphore, #tpu.memory_space<semaphore_mem>>
      %dma_start3A_194 = tpu.memref_slice %arg6[%mul3A_2] : memref<2048xf32, #tpu.memory_space<hbm>> -> memref<64xf32, #tpu.memory_space<hbm>>
      %dma_start3A_195 = tpu.memref_slice %arg6[%mul3A_2] : memref<2048xf32, #tpu.memory_space<hbm>> -> memref<64xf32, #tpu.memory_space<hbm>>
      tpu.enqueue_dma source(%dma_start3A_195 : memref<64xf32, #tpu.memory_space<hbm>>) target(%arg13 : memref<64xf32, #tpu.memory_space<vmem>>) target_semaphore(%run_scoped3A : memref<!tpu.dma_semaphore, #tpu.memory_space<semaphore_mem>>)
      %dma_wait3A_196 = tpu.memref_slice %arg6[%mul3A_2] : memref<2048xf32, #tpu.memory_space<hbm>> -> memref<64xf32, #tpu.memory_space<hbm>>
      %dma_wait3A_197 = tpu.memref_slice %arg6[%mul3A_2] : memref<2048xf32, #tpu.memory_space<hbm>> -> memref<64xf32, #tpu.memory_space<hbm>>
      tpu.wait_dma2 semaphore(%run_scoped3A : memref<!tpu.dma_semaphore, #tpu.memory_space<semaphore_mem>>) src(%dma_wait3A_197 : memref<64xf32, #tpu.memory_space<hbm>>) dst(%arg13 : memref<64xf32, #tpu.memory_space<vmem>>)
      tpu.yield
    }) : () -> ()
    "tpu.region"() ({
      %run_scoped3A = tpu.sem_alloc : memref<!tpu.dma_semaphore, #tpu.memory_space<semaphore_mem>>
      %dma_start3A_194 = tpu.memref_slice %arg7[%mul3A_2] : memref<2048xf32, #tpu.memory_space<hbm>> -> memref<64xf32, #tpu.memory_space<hbm>>
      %dma_start3A_195 = tpu.memref_slice %arg7[%mul3A_2] : memref<2048xf32, #tpu.memory_space<hbm>> -> memref<64xf32, #tpu.memory_space<hbm>>
      tpu.enqueue_dma source(%dma_start3A_195 : memref<64xf32, #tpu.memory_space<hbm>>) target(%arg14 : memref<64xf32, #tpu.memory_space<vmem>>) target_semaphore(%run_scoped3A : memref<!tpu.dma_semaphore, #tpu.memory_space<semaphore_mem>>)
      %dma_wait3A_196 = tpu.memref_slice %arg7[%mul3A_2] : memref<2048xf32, #tpu.memory_space<hbm>> -> memref<64xf32, #tpu.memory_space<hbm>>
      %dma_wait3A_197 = tpu.memref_slice %arg7[%mul3A_2] : memref<2048xf32, #tpu.memory_space<hbm>> -> memref<64xf32, #tpu.memory_space<hbm>>
      tpu.wait_dma2 semaphore(%run_scoped3A : memref<!tpu.dma_semaphore, #tpu.memory_space<semaphore_mem>>) src(%dma_wait3A_197 : memref<64xf32, #tpu.memory_space<hbm>>) dst(%arg14 : memref<64xf32, #tpu.memory_space<vmem>>)
      tpu.yield
    }) : () -> ()
    "tpu.region"() ({
      %run_scoped3A = tpu.sem_alloc : memref<!tpu.dma_semaphore, #tpu.memory_space<semaphore_mem>>
      tpu.enqueue_dma source(%arg8 : memref<32xf32, #tpu.memory_space<hbm>>) target(%arg15 : memref<32xf32, #tpu.memory_space<vmem>>) target_semaphore(%run_scoped3A : memref<!tpu.dma_semaphore, #tpu.memory_space<semaphore_mem>>)
      tpu.wait_dma2 semaphore(%run_scoped3A : memref<!tpu.dma_semaphore, #tpu.memory_space<semaphore_mem>>) src(%arg8 : memref<32xf32, #tpu.memory_space<hbm>>) dst(%arg15 : memref<32xf32, #tpu.memory_space<vmem>>)
      tpu.yield
    }) : () -> ()
    %dma_start3A = arith.constant 0 : i32
    %dma_start3A_3 = tpu.memref_slice %arg2[%dma_start3A] : memref<5120xf32, #tpu.memory_space<hbm>> -> memref<5120xf32, #tpu.memory_space<hbm>>
    tpu.enqueue_indirect_dma source(%dma_start3A_3 : memref<5120xf32, #tpu.memory_space<hbm>>) target(%arg16 : memref<64xf32, #tpu.memory_space<vmem>>) offsets(%arg11 : memref<64xi32, #tpu.memory_space<vmem>>) semaphore(%arg22 : memref<!tpu.dma_semaphore, #tpu.memory_space<semaphore_mem>>)
    %dma_start3A_4 = arith.constant 0 : i32
    %dma_start3A_5 = tpu.memref_slice %arg2[%dma_start3A_4] : memref<5120xf32, #tpu.memory_space<hbm>> -> memref<5120xf32, #tpu.memory_space<hbm>>
    tpu.enqueue_indirect_dma source(%dma_start3A_5 : memref<5120xf32, #tpu.memory_space<hbm>>) target(%arg17 : memref<64xf32, #tpu.memory_space<vmem>>) offsets(%arg12 : memref<64xi32, #tpu.memory_space<vmem>>) semaphore(%arg22 : memref<!tpu.dma_semaphore, #tpu.memory_space<semaphore_mem>>)
    %dma_start3A_6 = arith.constant 0 : i32
    %dma_start3A_7 = tpu.memref_slice %arg3[%dma_start3A_6] : memref<5120xf32, #tpu.memory_space<hbm>> -> memref<5120xf32, #tpu.memory_space<hbm>>
    tpu.enqueue_indirect_dma source(%dma_start3A_7 : memref<5120xf32, #tpu.memory_space<hbm>>) target(%arg18 : memref<64xf32, #tpu.memory_space<vmem>>) offsets(%arg11 : memref<64xi32, #tpu.memory_space<vmem>>) semaphore(%arg22 : memref<!tpu.dma_semaphore, #tpu.memory_space<semaphore_mem>>)
    %dma_start3A_8 = arith.constant 0 : i32
    %dma_start3A_9 = tpu.memref_slice %arg3[%dma_start3A_8] : memref<5120xf32, #tpu.memory_space<hbm>> -> memref<5120xf32, #tpu.memory_space<hbm>>
    tpu.enqueue_indirect_dma source(%dma_start3A_9 : memref<5120xf32, #tpu.memory_space<hbm>>) target(%arg19 : memref<64xf32, #tpu.memory_space<vmem>>) offsets(%arg12 : memref<64xi32, #tpu.memory_space<vmem>>) semaphore(%arg22 : memref<!tpu.dma_semaphore, #tpu.memory_space<semaphore_mem>>)
    %dma_wait3A = arith.constant 0 : i32
    %dma_wait3A_10 = tpu.memref_slice %arg2[%dma_wait3A] : memref<5120xf32, #tpu.memory_space<hbm>> -> memref<5120xf32, #tpu.memory_space<hbm>>
    tpu.wait_indirect_dma semaphore(%arg22 : memref<!tpu.dma_semaphore, #tpu.memory_space<semaphore_mem>>) src(%dma_wait3A_10 : memref<5120xf32, #tpu.memory_space<hbm>>) dst(%arg16 : memref<64xf32, #tpu.memory_space<vmem>>)
    %dma_wait3A_11 = arith.constant 0 : i32
    %dma_wait3A_12 = tpu.memref_slice %arg2[%dma_wait3A_11] : memref<5120xf32, #tpu.memory_space<hbm>> -> memref<5120xf32, #tpu.memory_space<hbm>>
    tpu.wait_indirect_dma semaphore(%arg22 : memref<!tpu.dma_semaphore, #tpu.memory_space<semaphore_mem>>) src(%dma_wait3A_12 : memref<5120xf32, #tpu.memory_space<hbm>>) dst(%arg17 : memref<64xf32, #tpu.memory_space<vmem>>)
    %dma_wait3A_13 = arith.constant 0 : i32
    %dma_wait3A_14 = tpu.memref_slice %arg3[%dma_wait3A_13] : memref<5120xf32, #tpu.memory_space<hbm>> -> memref<5120xf32, #tpu.memory_space<hbm>>
    tpu.wait_indirect_dma semaphore(%arg22 : memref<!tpu.dma_semaphore, #tpu.memory_space<semaphore_mem>>) src(%dma_wait3A_14 : memref<5120xf32, #tpu.memory_space<hbm>>) dst(%arg18 : memref<64xf32, #tpu.memory_space<vmem>>)
    %dma_wait3A_15 = arith.constant 0 : i32
    %dma_wait3A_16 = tpu.memref_slice %arg3[%dma_wait3A_15] : memref<5120xf32, #tpu.memory_space<hbm>> -> memref<5120xf32, #tpu.memory_space<hbm>>
    tpu.wait_indirect_dma semaphore(%arg22 : memref<!tpu.dma_semaphore, #tpu.memory_space<semaphore_mem>>) src(%dma_wait3A_16 : memref<5120xf32, #tpu.memory_space<hbm>>) dst(%arg19 : memref<64xf32, #tpu.memory_space<vmem>>)
    %get3A = arith.constant 0 : index
    %get3A_17 = tpu.vector_load %arg15[%get3A] {strides = array<i32>} : memref<32xf32, #tpu.memory_space<vmem>>, vector<16xf32>,
    %get3A_18 = vector.shape_cast %get3A_17 : vector<16xf32> to vector<16xf32>
    %get3A_19 = arith.constant 16 : index
    %get3A_20 = tpu.vector_load %arg15[%get3A_19] {strides = array<i32>} : memref<32xf32, #tpu.memory_space<vmem>>, vector<16xf32>,
    %get3A_21 = vector.shape_cast %get3A_20 : vector<16xf32> to vector<16xf32>
    %get3A_22 = arith.constant 0 : index
    %get3A_23 = tpu.vector_load %arg13[%get3A_22] {strides = array<i32>} : memref<64xf32, #tpu.memory_space<vmem>>, vector<16xf32>,
    %get3A_24 = vector.shape_cast %get3A_23 : vector<16xf32> to vector<16xf32>
    %get3A_25 = arith.constant 0 : index
    %get3A_26 = tpu.vector_load %arg14[%get3A_25] {strides = array<i32>} : memref<64xf32, #tpu.memory_space<vmem>>, vector<16xf32>,
    %get3A_27 = vector.shape_cast %get3A_26 : vector<16xf32> to vector<16xf32>
    %get3A_28 = arith.constant 0 : index
    %get3A_29 = tpu.vector_load %arg16[%get3A_28] {strides = array<i32>} : memref<64xf32, #tpu.memory_space<vmem>>, vector<16xf32>,
    %get3A_30 = vector.shape_cast %get3A_29 : vector<16xf32> to vector<16xf32>
    %mul3A_31 = arith.mulf %get3A_24, %get3A_30 : vector<16xf32>
    %get3A_32 = arith.constant 0 : index
    %get3A_33 = tpu.vector_load %arg17[%get3A_32] {strides = array<i32>} : memref<64xf32, #tpu.memory_space<vmem>>, vector<16xf32>,
    %get3A_34 = vector.shape_cast %get3A_33 : vector<16xf32> to vector<16xf32>
    %mul3A_35 = arith.mulf %get3A_27, %get3A_34 : vector<16xf32>
    %add3A_36 = arith.addf %mul3A_31, %mul3A_35 : vector<16xf32>
    %add3A_37 = arith.addf %add3A_36, %get3A_18 : vector<16xf32>
    %swap3A = arith.constant 0 : index
    %swap3A_38 = tpu.vector_load %arg20[%swap3A] {strides = array<i32>} : memref<64xf32, #tpu.memory_space<vmem>>, vector<16xf32>,
    %swap3A_39 = vector.shape_cast %swap3A_38 : vector<16xf32> to vector<16xf32>
    %swap3A_40 = vector.shape_cast %add3A_37 : vector<16xf32> to vector<16xf32>
    tpu.vector_store %arg20[%swap3A], %swap3A_40 {strides = array<i32>} : memref<64xf32, #tpu.memory_space<vmem>>, vector<16xf32>,
    %get3A_41 = arith.constant 0 : index
    %get3A_42 = tpu.vector_load %arg18[%get3A_41] {strides = array<i32>} : memref<64xf32, #tpu.memory_space<vmem>>, vector<16xf32>,
    %get3A_43 = vector.shape_cast %get3A_42 : vector<16xf32> to vector<16xf32>
    %mul3A_44 = arith.mulf %get3A_24, %get3A_43 : vector<16xf32>
    %get3A_45 = arith.constant 0 : index
    %get3A_46 = tpu.vector_load %arg19[%get3A_45] {strides = array<i32>} : memref<64xf32, #tpu.memory_space<vmem>>, vector<16xf32>,
    %get3A_47 = vector.shape_cast %get3A_46 : vector<16xf32> to vector<16xf32>
    %mul3A_48 = arith.mulf %get3A_27, %get3A_47 : vector<16xf32>
    %add3A_49 = arith.addf %mul3A_44, %mul3A_48 : vector<16xf32>
    %add3A_50 = arith.addf %add3A_49, %get3A_21 : vector<16xf32>
    %neg3A = arith.constant 0.000000e+00 : f32
    %neg3A_51 = vector.broadcast %neg3A : f32 to vector<16xf32>
    %neg3A_52 = arith.subf %neg3A_51, %add3A_50 : vector<16xf32>
    %exp3A = math.exp %neg3A_52 : vector<16xf32>
    %add3A_53 = arith.constant 1.000000e+00 : f32
    %add3A_54 = vector.broadcast %add3A_53 : f32 to vector<16xf32>
    %add3A_55 = arith.addf %add3A_54, %exp3A : vector<16xf32>
    %div3A = arith.constant 1.000000e+00 : f32
    %div3A_56 = vector.broadcast %div3A : f32 to vector<16xf32>
    %div3A_57 = arith.divf %div3A_56, %add3A_55 : vector<16xf32>
    %swap3A_58 = arith.constant 0 : index
    %swap3A_59 = tpu.vector_load %arg21[%swap3A_58] {strides = array<i32>} : memref<64xf32, #tpu.memory_space<vmem>>, vector<16xf32>,
    %swap3A_60 = vector.shape_cast %swap3A_59 : vector<16xf32> to vector<16xf32>
    %swap3A_61 = vector.shape_cast %div3A_57 : vector<16xf32> to vector<16xf32>
    tpu.vector_store %arg21[%swap3A_58], %swap3A_61 {strides = array<i32>} : memref<64xf32, #tpu.memory_space<vmem>>, vector<16xf32>,
    %get3A_62 = arith.constant 16 : index
    %get3A_63 = tpu.vector_load %arg13[%get3A_62] {strides = array<i32>} : memref<64xf32, #tpu.memory_space<vmem>>, vector<16xf32>,
    %get3A_64 = vector.shape_cast %get3A_63 : vector<16xf32> to vector<16xf32>
    %get3A_65 = arith.constant 16 : index
    %get3A_66 = tpu.vector_load %arg14[%get3A_65] {strides = array<i32>} : memref<64xf32, #tpu.memory_space<vmem>>, vector<16xf32>,
    %get3A_67 = vector.shape_cast %get3A_66 : vector<16xf32> to vector<16xf32>
    %get3A_68 = arith.constant 16 : index
    %get3A_69 = tpu.vector_load %arg16[%get3A_68] {strides = array<i32>} : memref<64xf32, #tpu.memory_space<vmem>>, vector<16xf32>,
    %get3A_70 = vector.shape_cast %get3A_69 : vector<16xf32> to vector<16xf32>
    %mul3A_71 = arith.mulf %get3A_64, %get3A_70 : vector<16xf32>
    %get3A_72 = arith.constant 16 : index
    %get3A_73 = tpu.vector_load %arg17[%get3A_72] {strides = array<i32>} : memref<64xf32, #tpu.memory_space<vmem>>, vector<16xf32>,
    %get3A_74 = vector.shape_cast %get3A_73 : vector<16xf32> to vector<16xf32>
    %mul3A_75 = arith.mulf %get3A_67, %get3A_74 : vector<16xf32>
    %add3A_76 = arith.addf %mul3A_71, %mul3A_75 : vector<16xf32>
    %add3A_77 = arith.addf %add3A_76, %get3A_18 : vector<16xf32>
    %swap3A_78 = arith.constant 16 : index
    %swap3A_79 = tpu.vector_load %arg20[%swap3A_78] {strides = array<i32>} : memref<64xf32, #tpu.memory_space<vmem>>, vector<16xf32>,
    %swap3A_80 = vector.shape_cast %swap3A_79 : vector<16xf32> to vector<16xf32>
    %swap3A_81 = vector.shape_cast %add3A_77 : vector<16xf32> to vector<16xf32>
    tpu.vector_store %arg20[%swap3A_78], %swap3A_81 {strides = array<i32>} : memref<64xf32, #tpu.memory_space<vmem>>, vector<16xf32>,
    %get3A_82 = arith.constant 16 : index
    %get3A_83 = tpu.vector_load %arg18[%get3A_82] {strides = array<i32>} : memref<64xf32, #tpu.memory_space<vmem>>, vector<16xf32>,
    %get3A_84 = vector.shape_cast %get3A_83 : vector<16xf32> to vector<16xf32>
    %mul3A_85 = arith.mulf %get3A_64, %get3A_84 : vector<16xf32>
    %get3A_86 = arith.constant 16 : index
    %get3A_87 = tpu.vector_load %arg19[%get3A_86] {strides = array<i32>} : memref<64xf32, #tpu.memory_space<vmem>>, vector<16xf32>,
    %get3A_88 = vector.shape_cast %get3A_87 : vector<16xf32> to vector<16xf32>
    %mul3A_89 = arith.mulf %get3A_67, %get3A_88 : vector<16xf32>
    %add3A_90 = arith.addf %mul3A_85, %mul3A_89 : vector<16xf32>
    %add3A_91 = arith.addf %add3A_90, %get3A_21 : vector<16xf32>
    %neg3A_92 = arith.constant 0.000000e+00 : f32
    %neg3A_93 = vector.broadcast %neg3A_92 : f32 to vector<16xf32>
    %neg3A_94 = arith.subf %neg3A_93, %add3A_91 : vector<16xf32>
    %exp3A_95 = math.exp %neg3A_94 : vector<16xf32>
    %add3A_96 = arith.constant 1.000000e+00 : f32
    %add3A_97 = vector.broadcast %add3A_96 : f32 to vector<16xf32>
    %add3A_98 = arith.addf %add3A_97, %exp3A_95 : vector<16xf32>
    %div3A_99 = arith.constant 1.000000e+00 : f32
    %div3A_100 = vector.broadcast %div3A_99 : f32 to vector<16xf32>
    %div3A_101 = arith.divf %div3A_100, %add3A_98 : vector<16xf32>
    %swap3A_102 = arith.constant 16 : index
    %swap3A_103 = tpu.vector_load %arg21[%swap3A_102] {strides = array<i32>} : memref<64xf32, #tpu.memory_space<vmem>>, vector<16xf32>,
    %swap3A_104 = vector.shape_cast %swap3A_103 : vector<16xf32> to vector<16xf32>
    %swap3A_105 = vector.shape_cast %div3A_101 : vector<16xf32> to vector<16xf32>
    tpu.vector_store %arg21[%swap3A_102], %swap3A_105 {strides = array<i32>} : memref<64xf32, #tpu.memory_space<vmem>>, vector<16xf32>,
    %get3A_106 = arith.constant 32 : index
    %get3A_107 = tpu.vector_load %arg13[%get3A_106] {strides = array<i32>} : memref<64xf32, #tpu.memory_space<vmem>>, vector<16xf32>,
    %get3A_108 = vector.shape_cast %get3A_107 : vector<16xf32> to vector<16xf32>
    %get3A_109 = arith.constant 32 : index
    %get3A_110 = tpu.vector_load %arg14[%get3A_109] {strides = array<i32>} : memref<64xf32, #tpu.memory_space<vmem>>, vector<16xf32>,
    %get3A_111 = vector.shape_cast %get3A_110 : vector<16xf32> to vector<16xf32>
    %get3A_112 = arith.constant 32 : index
    %get3A_113 = tpu.vector_load %arg16[%get3A_112] {strides = array<i32>} : memref<64xf32, #tpu.memory_space<vmem>>, vector<16xf32>,
    %get3A_114 = vector.shape_cast %get3A_113 : vector<16xf32> to vector<16xf32>
    %mul3A_115 = arith.mulf %get3A_108, %get3A_114 : vector<16xf32>
    %get3A_116 = arith.constant 32 : index
    %get3A_117 = tpu.vector_load %arg17[%get3A_116] {strides = array<i32>} : memref<64xf32, #tpu.memory_space<vmem>>, vector<16xf32>,
    %get3A_118 = vector.shape_cast %get3A_117 : vector<16xf32> to vector<16xf32>
    %mul3A_119 = arith.mulf %get3A_111, %get3A_118 : vector<16xf32>
    %add3A_120 = arith.addf %mul3A_115, %mul3A_119 : vector<16xf32>
    %add3A_121 = arith.addf %add3A_120, %get3A_18 : vector<16xf32>
    %swap3A_122 = arith.constant 32 : index
    %swap3A_123 = tpu.vector_load %arg20[%swap3A_122] {strides = array<i32>} : memref<64xf32, #tpu.memory_space<vmem>>, vector<16xf32>,
    %swap3A_124 = vector.shape_cast %swap3A_123 : vector<16xf32> to vector<16xf32>
    %swap3A_125 = vector.shape_cast %add3A_121 : vector<16xf32> to vector<16xf32>
    tpu.vector_store %arg20[%swap3A_122], %swap3A_125 {strides = array<i32>} : memref<64xf32, #tpu.memory_space<vmem>>, vector<16xf32>,
    %get3A_126 = arith.constant 32 : index
    %get3A_127 = tpu.vector_load %arg18[%get3A_126] {strides = array<i32>} : memref<64xf32, #tpu.memory_space<vmem>>, vector<16xf32>,
    %get3A_128 = vector.shape_cast %get3A_127 : vector<16xf32> to vector<16xf32>
    %mul3A_129 = arith.mulf %get3A_108, %get3A_128 : vector<16xf32>
    %get3A_130 = arith.constant 32 : index
    %get3A_131 = tpu.vector_load %arg19[%get3A_130] {strides = array<i32>} : memref<64xf32, #tpu.memory_space<vmem>>, vector<16xf32>,
    %get3A_132 = vector.shape_cast %get3A_131 : vector<16xf32> to vector<16xf32>
    %mul3A_133 = arith.mulf %get3A_111, %get3A_132 : vector<16xf32>
    %add3A_134 = arith.addf %mul3A_129, %mul3A_133 : vector<16xf32>
    %add3A_135 = arith.addf %add3A_134, %get3A_21 : vector<16xf32>
    %neg3A_136 = arith.constant 0.000000e+00 : f32
    %neg3A_137 = vector.broadcast %neg3A_136 : f32 to vector<16xf32>
    %neg3A_138 = arith.subf %neg3A_137, %add3A_135 : vector<16xf32>
    %exp3A_139 = math.exp %neg3A_138 : vector<16xf32>
    %add3A_140 = arith.constant 1.000000e+00 : f32
    %add3A_141 = vector.broadcast %add3A_140 : f32 to vector<16xf32>
    %add3A_142 = arith.addf %add3A_141, %exp3A_139 : vector<16xf32>
    %div3A_143 = arith.constant 1.000000e+00 : f32
    %div3A_144 = vector.broadcast %div3A_143 : f32 to vector<16xf32>
    %div3A_145 = arith.divf %div3A_144, %add3A_142 : vector<16xf32>
    %swap3A_146 = arith.constant 32 : index
    %swap3A_147 = tpu.vector_load %arg21[%swap3A_146] {strides = array<i32>} : memref<64xf32, #tpu.memory_space<vmem>>, vector<16xf32>,
    %swap3A_148 = vector.shape_cast %swap3A_147 : vector<16xf32> to vector<16xf32>
    %swap3A_149 = vector.shape_cast %div3A_145 : vector<16xf32> to vector<16xf32>
    tpu.vector_store %arg21[%swap3A_146], %swap3A_149 {strides = array<i32>} : memref<64xf32, #tpu.memory_space<vmem>>, vector<16xf32>,
    %get3A_150 = arith.constant 48 : index
    %get3A_151 = tpu.vector_load %arg13[%get3A_150] {strides = array<i32>} : memref<64xf32, #tpu.memory_space<vmem>>, vector<16xf32>,
    %get3A_152 = vector.shape_cast %get3A_151 : vector<16xf32> to vector<16xf32>
    %get3A_153 = arith.constant 48 : index
    %get3A_154 = tpu.vector_load %arg14[%get3A_153] {strides = array<i32>} : memref<64xf32, #tpu.memory_space<vmem>>, vector<16xf32>,
    %get3A_155 = vector.shape_cast %get3A_154 : vector<16xf32> to vector<16xf32>
    %get3A_156 = arith.constant 48 : index
    %get3A_157 = tpu.vector_load %arg16[%get3A_156] {strides = array<i32>} : memref<64xf32, #tpu.memory_space<vmem>>, vector<16xf32>,
    %get3A_158 = vector.shape_cast %get3A_157 : vector<16xf32> to vector<16xf32>
    %mul3A_159 = arith.mulf %get3A_152, %get3A_158 : vector<16xf32>
    %get3A_160 = arith.constant 48 : index
    %get3A_161 = tpu.vector_load %arg17[%get3A_160] {strides = array<i32>} : memref<64xf32, #tpu.memory_space<vmem>>, vector<16xf32>,
    %get3A_162 = vector.shape_cast %get3A_161 : vector<16xf32> to vector<16xf32>
    %mul3A_163 = arith.mulf %get3A_155, %get3A_162 : vector<16xf32>
    %add3A_164 = arith.addf %mul3A_159, %mul3A_163 : vector<16xf32>
    %add3A_165 = arith.addf %add3A_164, %get3A_18 : vector<16xf32>
    %swap3A_166 = arith.constant 48 : index
    %swap3A_167 = tpu.vector_load %arg20[%swap3A_166] {strides = array<i32>} : memref<64xf32, #tpu.memory_space<vmem>>, vector<16xf32>,
    %swap3A_168 = vector.shape_cast %swap3A_167 : vector<16xf32> to vector<16xf32>
    %swap3A_169 = vector.shape_cast %add3A_165 : vector<16xf32> to vector<16xf32>
    tpu.vector_store %arg20[%swap3A_166], %swap3A_169 {strides = array<i32>} : memref<64xf32, #tpu.memory_space<vmem>>, vector<16xf32>,
    %get3A_170 = arith.constant 48 : index
    %get3A_171 = tpu.vector_load %arg18[%get3A_170] {strides = array<i32>} : memref<64xf32, #tpu.memory_space<vmem>>, vector<16xf32>,
    %get3A_172 = vector.shape_cast %get3A_171 : vector<16xf32> to vector<16xf32>
    %mul3A_173 = arith.mulf %get3A_152, %get3A_172 : vector<16xf32>
    %get3A_174 = arith.constant 48 : index
    %get3A_175 = tpu.vector_load %arg19[%get3A_174] {strides = array<i32>} : memref<64xf32, #tpu.memory_space<vmem>>, vector<16xf32>,
    %get3A_176 = vector.shape_cast %get3A_175 : vector<16xf32> to vector<16xf32>
    %mul3A_177 = arith.mulf %get3A_155, %get3A_176 : vector<16xf32>
    %add3A_178 = arith.addf %mul3A_173, %mul3A_177 : vector<16xf32>
    %add3A_179 = arith.addf %add3A_178, %get3A_21 : vector<16xf32>
    %neg3A_180 = arith.constant 0.000000e+00 : f32
    %neg3A_181 = vector.broadcast %neg3A_180 : f32 to vector<16xf32>
    %neg3A_182 = arith.subf %neg3A_181, %add3A_179 : vector<16xf32>
    %exp3A_183 = math.exp %neg3A_182 : vector<16xf32>
    %add3A_184 = arith.constant 1.000000e+00 : f32
    %add3A_185 = vector.broadcast %add3A_184 : f32 to vector<16xf32>
    %add3A_186 = arith.addf %add3A_185, %exp3A_183 : vector<16xf32>
    %div3A_187 = arith.constant 1.000000e+00 : f32
    %div3A_188 = vector.broadcast %div3A_187 : f32 to vector<16xf32>
    %div3A_189 = arith.divf %div3A_188, %add3A_186 : vector<16xf32>
    %swap3A_190 = arith.constant 48 : index
    %swap3A_191 = tpu.vector_load %arg21[%swap3A_190] {strides = array<i32>} : memref<64xf32, #tpu.memory_space<vmem>>, vector<16xf32>,
    %swap3A_192 = vector.shape_cast %swap3A_191 : vector<16xf32> to vector<16xf32>
    %swap3A_193 = vector.shape_cast %div3A_189 : vector<16xf32> to vector<16xf32>
    tpu.vector_store %arg21[%swap3A_190], %swap3A_193 {strides = array<i32>} : memref<64xf32, #tpu.memory_space<vmem>>, vector<16xf32>,
    "tpu.region"() ({
      %run_scoped3A = tpu.sem_alloc : memref<!tpu.dma_semaphore, #tpu.memory_space<semaphore_mem>>
      %dma_start3A_194 = tpu.memref_slice %arg9[%mul3A_2] : memref<2048xf32, #tpu.memory_space<hbm>> -> memref<64xf32, #tpu.memory_space<hbm>>
      %dma_start3A_195 = tpu.memref_slice %arg9[%mul3A_2] : memref<2048xf32, #tpu.memory_space<hbm>> -> memref<64xf32, #tpu.memory_space<hbm>>
      tpu.enqueue_dma source(%arg20 : memref<64xf32, #tpu.memory_space<vmem>>) target(%dma_start3A_195 : memref<64xf32, #tpu.memory_space<hbm>>) target_semaphore(%run_scoped3A : memref<!tpu.dma_semaphore, #tpu.memory_space<semaphore_mem>>)
      %dma_wait3A_196 = tpu.memref_slice %arg9[%mul3A_2] : memref<2048xf32, #tpu.memory_space<hbm>> -> memref<64xf32, #tpu.memory_space<hbm>>
      %dma_wait3A_197 = tpu.memref_slice %arg9[%mul3A_2] : memref<2048xf32, #tpu.memory_space<hbm>> -> memref<64xf32, #tpu.memory_space<hbm>>
      tpu.wait_dma2 semaphore(%run_scoped3A : memref<!tpu.dma_semaphore, #tpu.memory_space<semaphore_mem>>) src(%arg20 : memref<64xf32, #tpu.memory_space<vmem>>) dst(%dma_wait3A_197 : memref<64xf32, #tpu.memory_space<hbm>>)
      tpu.yield
    }) : () -> ()
    "tpu.region"() ({
      %run_scoped3A = tpu.sem_alloc : memref<!tpu.dma_semaphore, #tpu.memory_space<semaphore_mem>>
      %dma_start3A_194 = tpu.memref_slice %arg10[%mul3A_2] : memref<2048xf32, #tpu.memory_space<hbm>> -> memref<64xf32, #tpu.memory_space<hbm>>
      %dma_start3A_195 = tpu.memref_slice %arg10[%mul3A_2] : memref<2048xf32, #tpu.memory_space<hbm>> -> memref<64xf32, #tpu.memory_space<hbm>>
      tpu.enqueue_dma source(%arg21 : memref<64xf32, #tpu.memory_space<vmem>>) target(%dma_start3A_195 : memref<64xf32, #tpu.memory_space<hbm>>) target_semaphore(%run_scoped3A : memref<!tpu.dma_semaphore, #tpu.memory_space<semaphore_mem>>)
      %dma_wait3A_196 = tpu.memref_slice %arg10[%mul3A_2] : memref<2048xf32, #tpu.memory_space<hbm>> -> memref<64xf32, #tpu.memory_space<hbm>>
      %dma_wait3A_197 = tpu.memref_slice %arg10[%mul3A_2] : memref<2048xf32, #tpu.memory_space<hbm>> -> memref<64xf32, #tpu.memory_space<hbm>>
      tpu.wait_dma2 semaphore(%run_scoped3A : memref<!tpu.dma_semaphore, #tpu.memory_space<semaphore_mem>>) src(%arg21 : memref<64xf32, #tpu.memory_space<vmem>>) dst(%dma_wait3A_197 : memref<64xf32, #tpu.memory_space<hbm>>)
      tpu.yield
    }) : () -> ()
    return
  }
}

#map = affine_map<(d0, d1) -> (0, 0)>
#map1 = affine_map<(d0, d1) -> (0)>
module attributes {stable_mosaic.version = 14 : i64} {
  func.func @_sc_scatter(%arg0: i32, %arg1: i32, %arg2: memref<2048x512xi32, #tpu.memory_space<hbm>>, %arg3: memref<2048xi32, #tpu.memory_space<hbm>>, %arg4: memref<2048xi32, #tpu.memory_space<hbm>>, %arg5: memref<5120x512xi32, #tpu.memory_space<hbm>>, %arg6: memref<64x512xi32, #tpu.memory_space<vmem>>, %arg7: memref<64xi32, #tpu.memory_space<vmem>>, %arg8: memref<64xi32, #tpu.memory_space<vmem>>, %arg9: memref<!tpu.dma_semaphore, #tpu.memory_space<semaphore_mem>>) attributes {dimension_semantics = [#tpu.dimension_semantics<core_parallel>, #tpu.dimension_semantics<subcore_parallel>], iteration_bounds = array<i64: 2, 16>, scalar_prefetch = 0 : i64, scratch_operands = 4 : i64, tpu.core_type = #tpu.core_type<sc_vector_subcore>, window_params = [{transform_indices = #map}, {transform_indices = #map1}, {transform_indices = #map1}, {transform_indices = #map}]} {
    %mul3A = arith.constant 2 : i32
    %mul3A_0 = arith.muli %arg1, %mul3A : i32
    %add3A = arith.addi %mul3A_0, %arg0 : i32
    %mul3A_1 = arith.constant 64 : i32
    %mul3A_2 = arith.muli %add3A, %mul3A_1 : i32
    "tpu.region"() ({
      %run_scoped3A = tpu.sem_alloc : memref<!tpu.dma_semaphore, #tpu.memory_space<semaphore_mem>>
      %dma_start3A_13 = arith.constant 0 : i32
      %dma_start3A_14 = tpu.memref_slice %arg2[%mul3A_2, %dma_start3A_13] : memref<2048x512xi32, #tpu.memory_space<hbm>> -> memref<64x512xi32, #tpu.memory_space<hbm>>
      %dma_start3A_15 = arith.constant 0 : i32
      %dma_start3A_16 = tpu.memref_slice %arg2[%mul3A_2, %dma_start3A_15] : memref<2048x512xi32, #tpu.memory_space<hbm>> -> memref<64x512xi32, #tpu.memory_space<hbm>>
      tpu.enqueue_dma source(%dma_start3A_16 : memref<64x512xi32, #tpu.memory_space<hbm>>) target(%arg6 : memref<64x512xi32, #tpu.memory_space<vmem>>) target_semaphore(%run_scoped3A : memref<!tpu.dma_semaphore, #tpu.memory_space<semaphore_mem>>)
      %dma_wait3A_17 = arith.constant 0 : i32
      %dma_wait3A_18 = tpu.memref_slice %arg2[%mul3A_2, %dma_wait3A_17] : memref<2048x512xi32, #tpu.memory_space<hbm>> -> memref<64x512xi32, #tpu.memory_space<hbm>>
      %dma_wait3A_19 = arith.constant 0 : i32
      %dma_wait3A_20 = tpu.memref_slice %arg2[%mul3A_2, %dma_wait3A_19] : memref<2048x512xi32, #tpu.memory_space<hbm>> -> memref<64x512xi32, #tpu.memory_space<hbm>>
      tpu.wait_dma2 semaphore(%run_scoped3A : memref<!tpu.dma_semaphore, #tpu.memory_space<semaphore_mem>>) src(%dma_wait3A_20 : memref<64x512xi32, #tpu.memory_space<hbm>>) dst(%arg6 : memref<64x512xi32, #tpu.memory_space<vmem>>)
      tpu.yield
    }) : () -> ()
    "tpu.region"() ({
      %run_scoped3A = tpu.sem_alloc : memref<!tpu.dma_semaphore, #tpu.memory_space<semaphore_mem>>
      %dma_start3A_13 = tpu.memref_slice %arg3[%mul3A_2] : memref<2048xi32, #tpu.memory_space<hbm>> -> memref<64xi32, #tpu.memory_space<hbm>>
      %dma_start3A_14 = tpu.memref_slice %arg3[%mul3A_2] : memref<2048xi32, #tpu.memory_space<hbm>> -> memref<64xi32, #tpu.memory_space<hbm>>
      tpu.enqueue_dma source(%dma_start3A_14 : memref<64xi32, #tpu.memory_space<hbm>>) target(%arg7 : memref<64xi32, #tpu.memory_space<vmem>>) target_semaphore(%run_scoped3A : memref<!tpu.dma_semaphore, #tpu.memory_space<semaphore_mem>>)
      %dma_wait3A_15 = tpu.memref_slice %arg3[%mul3A_2] : memref<2048xi32, #tpu.memory_space<hbm>> -> memref<64xi32, #tpu.memory_space<hbm>>
      %dma_wait3A_16 = tpu.memref_slice %arg3[%mul3A_2] : memref<2048xi32, #tpu.memory_space<hbm>> -> memref<64xi32, #tpu.memory_space<hbm>>
      tpu.wait_dma2 semaphore(%run_scoped3A : memref<!tpu.dma_semaphore, #tpu.memory_space<semaphore_mem>>) src(%dma_wait3A_16 : memref<64xi32, #tpu.memory_space<hbm>>) dst(%arg7 : memref<64xi32, #tpu.memory_space<vmem>>)
      tpu.yield
    }) : () -> ()
    "tpu.region"() ({
      %run_scoped3A = tpu.sem_alloc : memref<!tpu.dma_semaphore, #tpu.memory_space<semaphore_mem>>
      %dma_start3A_13 = tpu.memref_slice %arg4[%mul3A_2] : memref<2048xi32, #tpu.memory_space<hbm>> -> memref<64xi32, #tpu.memory_space<hbm>>
      %dma_start3A_14 = tpu.memref_slice %arg4[%mul3A_2] : memref<2048xi32, #tpu.memory_space<hbm>> -> memref<64xi32, #tpu.memory_space<hbm>>
      tpu.enqueue_dma source(%dma_start3A_14 : memref<64xi32, #tpu.memory_space<hbm>>) target(%arg8 : memref<64xi32, #tpu.memory_space<vmem>>) target_semaphore(%run_scoped3A : memref<!tpu.dma_semaphore, #tpu.memory_space<semaphore_mem>>)
      %dma_wait3A_15 = tpu.memref_slice %arg4[%mul3A_2] : memref<2048xi32, #tpu.memory_space<hbm>> -> memref<64xi32, #tpu.memory_space<hbm>>
      %dma_wait3A_16 = tpu.memref_slice %arg4[%mul3A_2] : memref<2048xi32, #tpu.memory_space<hbm>> -> memref<64xi32, #tpu.memory_space<hbm>>
      tpu.wait_dma2 semaphore(%run_scoped3A : memref<!tpu.dma_semaphore, #tpu.memory_space<semaphore_mem>>) src(%dma_wait3A_16 : memref<64xi32, #tpu.memory_space<hbm>>) dst(%arg8 : memref<64xi32, #tpu.memory_space<vmem>>)
      tpu.yield
    }) : () -> ()
    %dma_start3A = arith.constant 0 : i32
    %dma_start3A_3 = arith.constant 0 : i32
    %dma_start3A_4 = tpu.memref_slice %arg5[%dma_start3A, %dma_start3A_3] : memref<5120x512xi32, #tpu.memory_space<hbm>> -> memref<5120x512xi32, #tpu.memory_space<hbm>>
    tpu.enqueue_indirect_dma source(%arg6 : memref<64x512xi32, #tpu.memory_space<vmem>>) target(%dma_start3A_4 : memref<5120x512xi32, #tpu.memory_space<hbm>>) offsets(%arg7 : memref<64xi32, #tpu.memory_space<vmem>>) semaphore(%arg9 : memref<!tpu.dma_semaphore, #tpu.memory_space<semaphore_mem>>)
    %dma_start3A_5 = arith.constant 0 : i32
    %dma_start3A_6 = arith.constant 0 : i32
    %dma_start3A_7 = tpu.memref_slice %arg5[%dma_start3A_5, %dma_start3A_6] : memref<5120x512xi32, #tpu.memory_space<hbm>> -> memref<5120x512xi32, #tpu.memory_space<hbm>>
    tpu.enqueue_indirect_dma source(%arg6 : memref<64x512xi32, #tpu.memory_space<vmem>>) target(%dma_start3A_7 : memref<5120x512xi32, #tpu.memory_space<hbm>>) offsets(%arg8 : memref<64xi32, #tpu.memory_space<vmem>>) semaphore(%arg9 : memref<!tpu.dma_semaphore, #tpu.memory_space<semaphore_mem>>)
    %dma_wait3A = arith.constant 0 : i32
    %dma_wait3A_8 = arith.constant 0 : i32
    %dma_wait3A_9 = tpu.memref_slice %arg5[%dma_wait3A, %dma_wait3A_8] : memref<5120x512xi32, #tpu.memory_space<hbm>> -> memref<5120x512xi32, #tpu.memory_space<hbm>>
    tpu.wait_indirect_dma semaphore(%arg9 : memref<!tpu.dma_semaphore, #tpu.memory_space<semaphore_mem>>) src(%arg6 : memref<64x512xi32, #tpu.memory_space<vmem>>) dst(%dma_wait3A_9 : memref<5120x512xi32, #tpu.memory_space<hbm>>)
    %dma_wait3A_10 = arith.constant 0 : i32
    %dma_wait3A_11 = arith.constant 0 : i32
    %dma_wait3A_12 = tpu.memref_slice %arg5[%dma_wait3A_10, %dma_wait3A_11] : memref<5120x512xi32, #tpu.memory_space<hbm>> -> memref<5120x512xi32, #tpu.memory_space<hbm>>
    tpu.wait_indirect_dma semaphore(%arg9 : memref<!tpu.dma_semaphore, #tpu.memory_space<semaphore_mem>>) src(%arg6 : memref<64x512xi32, #tpu.memory_space<vmem>>) dst(%dma_wait3A_12 : memref<5120x512xi32, #tpu.memory_space<hbm>>)
    return
  }
}

module attributes {stable_mosaic.version = 14 : i64} {
  func.func @_gating_body(%arg0: i32, %arg1: memref<512x1024xf32, #tpu.memory_space<vmem>>, %arg2: memref<512x1024xf32, #tpu.memory_space<vmem>>, %arg3: memref<1x512xf32, #tpu.memory_space<vmem>>, %arg4: memref<2x512xf32, #tpu.memory_space<vmem>>, %arg5: memref<1x2xf32, #tpu.memory_space<vmem>>, %arg6: memref<4x1026xf32, #tpu.memory_space<vmem>>, %arg7: memref<1x4xf32, #tpu.memory_space<vmem>>, %arg8: memref<512x4xf32, #tpu.memory_space<vmem>>, %arg9: memref<1x1xf32, #tpu.memory_space<vmem>>, %arg10: memref<512x1xf32, #tpu.memory_space<vmem>>, %arg11: memref<512x1xf32, #tpu.memory_space<vmem>>, %arg12: memref<2048x1xi32, #tpu.memory_space<vmem>>, %arg13: memref<2048x1xi32, #tpu.memory_space<vmem>>, %arg14: memref<1x32xi32, #tpu.memory_space<vmem>>, %arg15: memref<512x512xi32, #tpu.memory_space<vmem>>, %arg16: memref<8xf32, #tpu.memory_space<smem>>, %arg17: memref<2048x1xf32, #tpu.memory_space<vmem>>, %arg18: memref<2048x1xf32, #tpu.memory_space<vmem>>, %arg19: memref<2048x1xf32, #tpu.memory_space<vmem>>, %arg20: memref<2048x1xf32, #tpu.memory_space<vmem>>) attributes {dimension_semantics = [#tpu.dimension_semantics<arbitrary>], iteration_bounds = array<i64: 4>, scalar_prefetch = 0 : i64, scratch_operands = 5 : i64, tpu.core_type = #tpu.core_type<tc>, window_params = [{transform_indices = @transform_0, window_bounds = array<i64: 512, 1024>}, {pipeline_mode = #tpu.pipeline_mode<synchronous>, transform_indices = @transform_1, window_bounds = array<i64: 512, 1024>}, {pipeline_mode = #tpu.pipeline_mode<synchronous>, transform_indices = @transform_2, window_bounds = array<i64: 1, 512>}, {pipeline_mode = #tpu.pipeline_mode<synchronous>, transform_indices = @transform_3, window_bounds = array<i64: 2, 512>}, {pipeline_mode = #tpu.pipeline_mode<synchronous>, transform_indices = @transform_4, window_bounds = array<i64: 1, 2>}, {pipeline_mode = #tpu.pipeline_mode<synchronous>, transform_indices = @transform_5, window_bounds = array<i64: 4, 1026>}, {pipeline_mode = #tpu.pipeline_mode<synchronous>, transform_indices = @transform_6, window_bounds = array<i64: 1, 4>}, {transform_indices = @transform_7, window_bounds = array<i64: 512, 4>}, {pipeline_mode = #tpu.pipeline_mode<synchronous>, transform_indices = @transform_8, window_bounds = array<i64: 1, 1>}, {transform_indices = @transform_9, window_bounds = array<i64: 512, 1>}, {transform_indices = @transform_10, window_bounds = array<i64: 512, 1>}, {pipeline_mode = #tpu.pipeline_mode<synchronous>, transform_indices = @transform_11, window_bounds = array<i64: 2048, 1>}, {pipeline_mode = #tpu.pipeline_mode<synchronous>, transform_indices = @transform_12, window_bounds = array<i64: 2048, 1>}, {pipeline_mode = #tpu.pipeline_mode<synchronous>, transform_indices = @transform_13, window_bounds = array<i64: 1, 32>}, {transform_indices = @transform_14, window_bounds = array<i64: 512, 512>}]} {
    %get3A = arith.constant 0 : index
    %get3A_0 = arith.constant 0 : index
    %get3A_1 = vector.load %arg1[%get3A, %get3A_0] : memref<512x1024xf32, #tpu.memory_space<vmem>>, vector<512x1024xf32>
    %convert_element_type3A = arith.truncf %get3A_1 : vector<512x1024xf32> to vector<512x1024xbf16>
    %slice3A = vector.extract_strided_slice %convert_element_type3A {offsets = [0, 0], sizes = [512, 512], strides = [1, 1]} : vector<512x1024xbf16> to vector<512x512xbf16>
    %bitcast_convert_type3A = tpu.bitcast %slice3A : vector<512x512xbf16> -> vector<512x512xi16>
    %convert_element_type3A_2 = arith.extui %bitcast_convert_type3A : vector<512x512xi16> to vector<512x512xi32>
    %slice3A_3 = vector.extract_strided_slice %convert_element_type3A {offsets = [0, 512], sizes = [512, 512], strides = [1, 1]} : vector<512x1024xbf16> to vector<512x512xbf16>
    %bitcast_convert_type3A_4 = tpu.bitcast %slice3A_3 : vector<512x512xbf16> -> vector<512x512xi16>
    %convert_element_type3A_5 = arith.extui %bitcast_convert_type3A_4 : vector<512x512xi16> to vector<512x512xi32>
    %shift_left3A = arith.constant 16 : i32
    %shift_left3A_6 = vector.broadcast %shift_left3A : i32 to vector<512x512xi32>
    %shift_left3A_7 = arith.shli %convert_element_type3A_5, %shift_left3A_6 : vector<512x512xi32>
    %or3A = arith.ori %convert_element_type3A_2, %shift_left3A_7 : vector<512x512xi32>
    %bitcast_convert_type3A_8 = tpu.bitcast %or3A : vector<512x512xi32> -> vector<512x512xi32>
    %swap3A = arith.constant 0 : index
    %swap3A_9 = arith.constant 0 : index
    %swap3A_10 = vector.load %arg15[%swap3A, %swap3A_9] : memref<512x512xi32, #tpu.memory_space<vmem>>, vector<512x512xi32>
    tpu.vector_store %arg15[%swap3A, %swap3A_9], %bitcast_convert_type3A_8 {strides = array<i32>} : memref<512x512xi32, #tpu.memory_space<vmem>>, vector<512x512xi32>,
    %get3A_11 = arith.constant 0 : index
    %get3A_12 = arith.constant 0 : index
    %get3A_13 = vector.load %arg2[%get3A_11, %get3A_12] : memref<512x1024xf32, #tpu.memory_space<vmem>>, vector<512x1024xf32>
    %dot_general3A = arith.constant dense<0.000000e+00> : vector<512x512xf32>
    %dot_general3A_14 = tpu.matmul %get3A_1, %get3A_13, %dot_general3A {dimension_numbers = #tpu.dot_dimension_numbers<[1], [1], [0], [0], [0, 0, 1, 0], [], []>, transpose_lhs_hint = false} : vector<512x1024xf32>, vector<512x1024xf32>, vector<512x512xf32> -> vector<512x512xf32>
    %get3A_15 = arith.constant 0 : index
    %get3A_16 = arith.constant 0 : index
    %get3A_17 = vector.load %arg3[%get3A_15, %get3A_16] : memref<1x512xf32, #tpu.memory_space<vmem>>, vector<1x512xf32>
    %add3A = vector.broadcast %get3A_17 : vector<1x512xf32> to vector<512x512xf32>
    %add3A_18 = arith.addf %dot_general3A_14, %add3A : vector<512x512xf32>
    %max3A = arith.constant 0.000000e+00 : f32
    %max3A_19 = vector.broadcast %max3A : f32 to vector<512x512xf32>
    %max3A_20 = arith.maximumf %add3A_18, %max3A_19 : vector<512x512xf32>
    %get3A_21 = arith.constant 0 : index
    %get3A_22 = arith.constant 0 : index
    %get3A_23 = vector.load %arg4[%get3A_21, %get3A_22] : memref<2x512xf32, #tpu.memory_space<vmem>>, vector<2x512xf32>
    %dot_general3A_24 = arith.constant dense<0.000000e+00> : vector<512x2xf32>
    %dot_general3A_25 = tpu.matmul %max3A_20, %get3A_23, %dot_general3A_24 {dimension_numbers = #tpu.dot_dimension_numbers<[1], [1], [0], [0], [0, 0, 1, 0], [], []>, transpose_lhs_hint = false} : vector<512x512xf32>, vector<2x512xf32>, vector<512x2xf32> -> vector<512x2xf32>
    %get3A_26 = arith.constant 0 : index
    %get3A_27 = arith.constant 0 : index
    %get3A_28 = vector.load %arg5[%get3A_26, %get3A_27] : memref<1x2xf32, #tpu.memory_space<vmem>>, vector<1x2xf32>
    %add3A_29 = vector.broadcast %get3A_28 : vector<1x2xf32> to vector<512x2xf32>
    %add3A_30 = arith.addf %dot_general3A_25, %add3A_29 : vector<512x2xf32>
    %reduce_max3A = arith.constant dense<0xFF800000> : vector<512xf32>
    %reduce_max3A_31 = vector.multi_reduction <maximumf>, %add3A_30, %reduce_max3A [1] : vector<512x2xf32> to vector<512xf32>
    %broadcast_in_dim3A = vector.shape_cast %reduce_max3A_31 : vector<512xf32> to vector<512x1xf32>
    %sub3A = vector.broadcast %broadcast_in_dim3A : vector<512x1xf32> to vector<512x2xf32>
    %sub3A_32 = arith.subf %add3A_30, %sub3A : vector<512x2xf32>
    %exp3A = math.exp %sub3A_32 : vector<512x2xf32>
    %reduce_sum3A = arith.constant dense<0.000000e+00> : vector<512xf32>
    %reduce_sum3A_33 = vector.multi_reduction <add>, %exp3A, %reduce_sum3A [1] : vector<512x2xf32> to vector<512xf32>
    %broadcast_in_dim3A_34 = vector.shape_cast %reduce_sum3A_33 : vector<512xf32> to vector<512x1xf32>
    %div3A = vector.broadcast %broadcast_in_dim3A_34 : vector<512x1xf32> to vector<512x2xf32>
    %div3A_35 = arith.divf %exp3A, %div3A : vector<512x2xf32>
    %slice3A_36 = vector.extract_strided_slice %add3A_30 {offsets = [0, 0], sizes = [512, 1], strides = [1, 1]} : vector<512x2xf32> to vector<512x1xf32>
    %slice3A_37 = vector.extract_strided_slice %add3A_30 {offsets = [0, 1], sizes = [512, 1], strides = [1, 1]} : vector<512x2xf32> to vector<512x1xf32>
    %ge3A = arith.cmpf oge, %slice3A_36, %slice3A_37 : vector<512x1xf32>
    %convert_element_type3A_38 = arith.extui %ge3A : vector<512x1xi1> to vector<512x1xi32>
    %convert_element_type3A_39 = arith.sitofp %convert_element_type3A_38 : vector<512x1xi32> to vector<512x1xf32>
    %concatenate3A = tpu.concatenate %get3A_1, %div3A_35 in 1 : vector<512x1024xf32>, vector<512x2xf32> -> vector<512x1026xf32>
    %get3A_40 = arith.constant 0 : index
    %get3A_41 = arith.constant 0 : index
    %get3A_42 = vector.load %arg6[%get3A_40, %get3A_41] : memref<4x1026xf32, #tpu.memory_space<vmem>>, vector<4x1026xf32>
    %dot_general3A_43 = arith.constant dense<0.000000e+00> : vector<512x4xf32>
    %dot_general3A_44 = tpu.matmul %concatenate3A, %get3A_42, %dot_general3A_43 {dimension_numbers = #tpu.dot_dimension_numbers<[1], [1], [0], [0], [0, 0, 1, 0], [], []>, transpose_lhs_hint = false} : vector<512x1026xf32>, vector<4x1026xf32>, vector<512x4xf32> -> vector<512x4xf32>
    %get3A_45 = arith.constant 0 : index
    %get3A_46 = arith.constant 0 : index
    %get3A_47 = vector.load %arg7[%get3A_45, %get3A_46] : memref<1x4xf32, #tpu.memory_space<vmem>>, vector<1x4xf32>
    %add3A_48 = vector.broadcast %get3A_47 : vector<1x4xf32> to vector<512x4xf32>
    %add3A_49 = arith.addf %dot_general3A_44, %add3A_48 : vector<512x4xf32>
    %slice3A_50 = vector.extract_strided_slice %add3A_49 {offsets = [0, 0], sizes = [512, 1], strides = [1, 1]} : vector<512x4xf32> to vector<512x1xf32>
    %slice3A_51 = vector.extract_strided_slice %add3A_49 {offsets = [0, 1], sizes = [512, 1], strides = [1, 1]} : vector<512x4xf32> to vector<512x1xf32>
    %ge3A_52 = arith.cmpf oge, %slice3A_50, %slice3A_51 : vector<512x1xf32>
    %convert_element_type3A_53 = arith.extui %ge3A_52 : vector<512x1xi1> to vector<512x1xi32>
    %convert_element_type3A_54 = arith.sitofp %convert_element_type3A_53 : vector<512x1xi32> to vector<512x1xf32>
    %slice3A_55 = vector.extract_strided_slice %add3A_49 {offsets = [0, 2], sizes = [512, 1], strides = [1, 1]} : vector<512x4xf32> to vector<512x1xf32>
    %slice3A_56 = vector.extract_strided_slice %add3A_49 {offsets = [0, 3], sizes = [512, 1], strides = [1, 1]} : vector<512x4xf32> to vector<512x1xf32>
    %ge3A_57 = arith.cmpf oge, %slice3A_55, %slice3A_56 : vector<512x1xf32>
    %convert_element_type3A_58 = arith.extui %ge3A_57 : vector<512x1xi1> to vector<512x1xi32>
    %convert_element_type3A_59 = arith.sitofp %convert_element_type3A_58 : vector<512x1xi32> to vector<512x1xf32>
    %slice3A_60 = vector.extract_strided_slice %add3A_49 {offsets = [0, 0], sizes = [512, 1], strides = [1, 1]} : vector<512x4xf32> to vector<512x1xf32>
    %slice3A_61 = vector.extract_strided_slice %add3A_49 {offsets = [0, 1], sizes = [512, 1], strides = [1, 1]} : vector<512x4xf32> to vector<512x1xf32>
    %max3A_62 = arith.maximumf %slice3A_60, %slice3A_61 : vector<512x1xf32>
    %slice3A_63 = vector.extract_strided_slice %add3A_49 {offsets = [0, 0], sizes = [512, 1], strides = [1, 1]} : vector<512x4xf32> to vector<512x1xf32>
    %sub3A_64 = arith.subf %slice3A_63, %max3A_62 : vector<512x1xf32>
    %exp3A_65 = math.exp %sub3A_64 : vector<512x1xf32>
    %slice3A_66 = vector.extract_strided_slice %add3A_49 {offsets = [0, 0], sizes = [512, 1], strides = [1, 1]} : vector<512x4xf32> to vector<512x1xf32>
    %sub3A_67 = arith.subf %slice3A_66, %max3A_62 : vector<512x1xf32>
    %exp3A_68 = math.exp %sub3A_67 : vector<512x1xf32>
    %slice3A_69 = vector.extract_strided_slice %add3A_49 {offsets = [0, 1], sizes = [512, 1], strides = [1, 1]} : vector<512x4xf32> to vector<512x1xf32>
    %sub3A_70 = arith.subf %slice3A_69, %max3A_62 : vector<512x1xf32>
    %exp3A_71 = math.exp %sub3A_70 : vector<512x1xf32>
    %add3A_72 = arith.addf %exp3A_68, %exp3A_71 : vector<512x1xf32>
    %div3A_73 = arith.divf %exp3A_65, %add3A_72 : vector<512x1xf32>
    %slice3A_74 = vector.extract_strided_slice %add3A_49 {offsets = [0, 2], sizes = [512, 1], strides = [1, 1]} : vector<512x4xf32> to vector<512x1xf32>
    %slice3A_75 = vector.extract_strided_slice %add3A_49 {offsets = [0, 3], sizes = [512, 1], strides = [1, 1]} : vector<512x4xf32> to vector<512x1xf32>
    %max3A_76 = arith.maximumf %slice3A_74, %slice3A_75 : vector<512x1xf32>
    %slice3A_77 = vector.extract_strided_slice %add3A_49 {offsets = [0, 2], sizes = [512, 1], strides = [1, 1]} : vector<512x4xf32> to vector<512x1xf32>
    %sub3A_78 = arith.subf %slice3A_77, %max3A_76 : vector<512x1xf32>
    %exp3A_79 = math.exp %sub3A_78 : vector<512x1xf32>
    %slice3A_80 = vector.extract_strided_slice %add3A_49 {offsets = [0, 2], sizes = [512, 1], strides = [1, 1]} : vector<512x4xf32> to vector<512x1xf32>
    %sub3A_81 = arith.subf %slice3A_80, %max3A_76 : vector<512x1xf32>
    %exp3A_82 = math.exp %sub3A_81 : vector<512x1xf32>
    %slice3A_83 = vector.extract_strided_slice %add3A_49 {offsets = [0, 3], sizes = [512, 1], strides = [1, 1]} : vector<512x4xf32> to vector<512x1xf32>
    %sub3A_84 = arith.subf %slice3A_83, %max3A_76 : vector<512x1xf32>
    %exp3A_85 = math.exp %sub3A_84 : vector<512x1xf32>
    %add3A_86 = arith.addf %exp3A_82, %exp3A_85 : vector<512x1xf32>
    %div3A_87 = arith.divf %exp3A_79, %add3A_86 : vector<512x1xf32>
    %slice3A_88 = vector.extract_strided_slice %div3A_35 {offsets = [0, 0], sizes = [512, 1], strides = [1, 1]} : vector<512x2xf32> to vector<512x1xf32>
    %mul3A = arith.mulf %slice3A_88, %convert_element_type3A_54 : vector<512x1xf32>
    %slice3A_89 = vector.extract_strided_slice %div3A_35 {offsets = [0, 0], sizes = [512, 1], strides = [1, 1]} : vector<512x2xf32> to vector<512x1xf32>
    %sub3A_90 = arith.constant 1.000000e+00 : f32
    %sub3A_91 = vector.broadcast %sub3A_90 : f32 to vector<512x1xf32>
    %sub3A_92 = arith.subf %sub3A_91, %convert_element_type3A_54 : vector<512x1xf32>
    %mul3A_93 = arith.mulf %slice3A_89, %sub3A_92 : vector<512x1xf32>
    %slice3A_94 = vector.extract_strided_slice %div3A_35 {offsets = [0, 1], sizes = [512, 1], strides = [1, 1]} : vector<512x2xf32> to vector<512x1xf32>
    %mul3A_95 = arith.mulf %slice3A_94, %convert_element_type3A_59 : vector<512x1xf32>
    %slice3A_96 = vector.extract_strided_slice %div3A_35 {offsets = [0, 1], sizes = [512, 1], strides = [1, 1]} : vector<512x2xf32> to vector<512x1xf32>
    %sub3A_97 = arith.constant 1.000000e+00 : f32
    %sub3A_98 = vector.broadcast %sub3A_97 : f32 to vector<512x1xf32>
    %sub3A_99 = arith.subf %sub3A_98, %convert_element_type3A_59 : vector<512x1xf32>
    %mul3A_100 = arith.mulf %slice3A_96, %sub3A_99 : vector<512x1xf32>
    %slice3A_101 = vector.extract_strided_slice %div3A_35 {offsets = [0, 0], sizes = [512, 1], strides = [1, 1]} : vector<512x2xf32> to vector<512x1xf32>
    %slice3A_102 = vector.extract_strided_slice %div3A_35 {offsets = [0, 1], sizes = [512, 1], strides = [1, 1]} : vector<512x2xf32> to vector<512x1xf32>
    %add3A_103 = arith.addf %slice3A_101, %slice3A_102 : vector<512x1xf32>
    %add3A_104 = arith.constant 9.99999993E-9 : f32
    %add3A_105 = vector.broadcast %add3A_104 : f32 to vector<512x1xf32>
    %add3A_106 = arith.addf %add3A_103, %add3A_105 : vector<512x1xf32>
    %concatenate3A_107 = tpu.concatenate %mul3A, %mul3A_93, %mul3A_95, %mul3A_100 in 1 : vector<512x1xf32>, vector<512x1xf32>, vector<512x1xf32>, vector<512x1xf32> -> vector<512x4xf32>
    %div3A_108 = vector.broadcast %add3A_106 : vector<512x1xf32> to vector<512x4xf32>
    %div3A_109 = arith.divf %concatenate3A_107, %div3A_108 : vector<512x4xf32>
    %swap3A_110 = arith.constant 0 : index
    %swap3A_111 = arith.constant 0 : index
    %swap3A_112 = vector.load %arg8[%swap3A_110, %swap3A_111] : memref<512x4xf32, #tpu.memory_space<vmem>>, vector<512x4xf32>
    tpu.vector_store %arg8[%swap3A_110, %swap3A_111], %div3A_109 {strides = array<i32>} : memref<512x4xf32, #tpu.memory_space<vmem>>, vector<512x4xf32>,
    %slice3A_113 = vector.extract_strided_slice %div3A_35 {offsets = [0, 0], sizes = [512, 1], strides = [1, 1]} : vector<512x2xf32> to vector<512x1xf32>
    %div3A_114 = arith.divf %slice3A_113, %add3A_106 : vector<512x1xf32>
    %swap3A_115 = arith.constant 0 : index
    %swap3A_116 = arith.constant 0 : index
    %swap3A_117 = vector.load %arg10[%swap3A_115, %swap3A_116] : memref<512x1xf32, #tpu.memory_space<vmem>>, vector<512x1xf32>
    tpu.vector_store %arg10[%swap3A_115, %swap3A_116], %div3A_114 {strides = array<i32>} : memref<512x1xf32, #tpu.memory_space<vmem>>, vector<512x1xf32>,
    %slice3A_118 = vector.extract_strided_slice %div3A_35 {offsets = [0, 1], sizes = [512, 1], strides = [1, 1]} : vector<512x2xf32> to vector<512x1xf32>
    %div3A_119 = arith.divf %slice3A_118, %add3A_106 : vector<512x1xf32>
    %swap3A_120 = arith.constant 0 : index
    %swap3A_121 = arith.constant 0 : index
    %swap3A_122 = vector.load %arg11[%swap3A_120, %swap3A_121] : memref<512x1xf32, #tpu.memory_space<vmem>>, vector<512x1xf32>
    tpu.vector_store %arg11[%swap3A_120, %swap3A_121], %div3A_119 {strides = array<i32>} : memref<512x1xf32, #tpu.memory_space<vmem>>, vector<512x1xf32>,
    %mul3A_123 = arith.constant 512 : i32
    %mul3A_124 = arith.muli %arg0, %mul3A_123 : i32
    %sub3A_125 = arith.constant 1.000000e+00 : f32
    %sub3A_126 = vector.broadcast %sub3A_125 : f32 to vector<512x1xf32>
    %sub3A_127 = arith.subf %sub3A_126, %convert_element_type3A_54 : vector<512x1xf32>
    %swap3A_128 = arith.index_cast %mul3A_124 : i32 to index
    %swap3A_129 = arith.constant 0 : index
    %swap3A_130 = vector.load %arg17[%swap3A_128, %swap3A_129] : memref<2048x1xf32, #tpu.memory_space<vmem>>, vector<512x1xf32>
    tpu.vector_store %arg17[%swap3A_128, %swap3A_129], %sub3A_127 {strides = array<i32>} : memref<2048x1xf32, #tpu.memory_space<vmem>>, vector<512x1xf32>,
    %sub3A_131 = arith.constant 1.000000e+00 : f32
    %sub3A_132 = vector.broadcast %sub3A_131 : f32 to vector<512x1xf32>
    %sub3A_133 = arith.subf %sub3A_132, %convert_element_type3A_59 : vector<512x1xf32>
    %swap3A_134 = arith.index_cast %mul3A_124 : i32 to index
    %swap3A_135 = arith.constant 0 : index
    %swap3A_136 = vector.load %arg18[%swap3A_134, %swap3A_135] : memref<2048x1xf32, #tpu.memory_space<vmem>>, vector<512x1xf32>
    tpu.vector_store %arg18[%swap3A_134, %swap3A_135], %sub3A_133 {strides = array<i32>} : memref<2048x1xf32, #tpu.memory_space<vmem>>, vector<512x1xf32>,
    %iota3A = tpu.iota {dimensions = array<i32: 0>} : vector<512x512xi32>
    %iota3A_137 = tpu.iota {dimensions = array<i32: 1>} : vector<512x512xi32>
    %ge3A_138 = arith.cmpi sge, %iota3A, %iota3A_137 : vector<512x512xi32>
    %convert_element_type3A_139 = arith.extui %ge3A_138 : vector<512x512xi1> to vector<512x512xi32>
    %convert_element_type3A_140 = arith.sitofp %convert_element_type3A_139 : vector<512x512xi32> to vector<512x512xf32>
    %dot_general3A_141 = arith.constant dense<0.000000e+00> : vector<512x1xf32>
    %dot_general3A_142 = tpu.matmul %convert_element_type3A_140, %convert_element_type3A_54, %dot_general3A_141 {dimension_numbers = #tpu.dot_dimension_numbers<[1], [0], [0], [1], [0, 0, 1, 1], [], []>, transpose_lhs_hint = false} : vector<512x512xf32>, vector<512x1xf32>, vector<512x1xf32> -> vector<512x1xf32>
    %dot_general3A_143 = arith.constant dense<0.000000e+00> : vector<512x1xf32>
    %dot_general3A_144 = tpu.matmul %convert_element_type3A_140, %convert_element_type3A_59, %dot_general3A_143 {dimension_numbers = #tpu.dot_dimension_numbers<[1], [0], [0], [1], [0, 0, 1, 1], [], []>, transpose_lhs_hint = false} : vector<512x512xf32>, vector<512x1xf32>, vector<512x1xf32> -> vector<512x1xf32>
    %eq3A = arith.constant 0 : i32
    %eq3A_145 = arith.cmpi eq, %arg0, %eq3A : i32
    %convert_element_type3A_146 = arith.extui %eq3A_145 : i1 to i32
    %cond3A = arith.constant 0 : i32
    %cond3A_147 = arith.cmpi ne, %convert_element_type3A_146, %cond3A : i32
    scf.if %cond3A_147 {
      %swap3A_248 = arith.constant 0.000000e+00 : f32
      %swap3A_249 = arith.constant 0 : index
      %swap3A_250 = memref.load %arg16[%swap3A_249] : memref<8xf32, #tpu.memory_space<smem>>
      memref.store %swap3A_248, %arg16[%swap3A_249] : memref<8xf32, #tpu.memory_space<smem>>
      %swap3A_251 = arith.constant 0.000000e+00 : f32
      %swap3A_252 = arith.constant 1 : index
      %swap3A_253 = memref.load %arg16[%swap3A_252] : memref<8xf32, #tpu.memory_space<smem>>
      memref.store %swap3A_251, %arg16[%swap3A_252] : memref<8xf32, #tpu.memory_space<smem>>
      %swap3A_254 = arith.constant 0.000000e+00 : f32
      %swap3A_255 = arith.constant 2 : index
      %swap3A_256 = memref.load %arg16[%swap3A_255] : memref<8xf32, #tpu.memory_space<smem>>
      memref.store %swap3A_254, %arg16[%swap3A_255] : memref<8xf32, #tpu.memory_space<smem>>
      %swap3A_257 = arith.constant 0.000000e+00 : f32
      %swap3A_258 = arith.constant 3 : index
      %swap3A_259 = memref.load %arg16[%swap3A_258] : memref<8xf32, #tpu.memory_space<smem>>
      memref.store %swap3A_257, %arg16[%swap3A_258] : memref<8xf32, #tpu.memory_space<smem>>
      %swap3A_260 = arith.constant 0.000000e+00 : f32
      %swap3A_261 = arith.constant 4 : index
      %swap3A_262 = memref.load %arg16[%swap3A_261] : memref<8xf32, #tpu.memory_space<smem>>
      memref.store %swap3A_260, %arg16[%swap3A_261] : memref<8xf32, #tpu.memory_space<smem>>
      %swap3A_263 = arith.constant 0.000000e+00 : f32
      %swap3A_264 = arith.constant 5 : index
      %swap3A_265 = memref.load %arg16[%swap3A_264] : memref<8xf32, #tpu.memory_space<smem>>
      memref.store %swap3A_263, %arg16[%swap3A_264] : memref<8xf32, #tpu.memory_space<smem>>
      %swap3A_266 = arith.constant 0.000000e+00 : f32
      %swap3A_267 = arith.constant 6 : index
      %swap3A_268 = memref.load %arg16[%swap3A_267] : memref<8xf32, #tpu.memory_space<smem>>
      memref.store %swap3A_266, %arg16[%swap3A_267] : memref<8xf32, #tpu.memory_space<smem>>
      %swap3A_269 = arith.constant 0.000000e+00 : f32
      %swap3A_270 = arith.constant 7 : index
      %swap3A_271 = memref.load %arg16[%swap3A_270] : memref<8xf32, #tpu.memory_space<smem>>
      memref.store %swap3A_269, %arg16[%swap3A_270] : memref<8xf32, #tpu.memory_space<smem>>
    } else {
    }
    %get3A_148 = arith.constant 6 : index
    %get3A_149 = memref.load %arg16[%get3A_148] : memref<8xf32, #tpu.memory_space<smem>>
    %add3A_150 = vector.broadcast %get3A_149 : f32 to vector<512x1xf32>
    %add3A_151 = arith.addf %dot_general3A_142, %add3A_150 : vector<512x1xf32>
    %swap3A_152 = arith.index_cast %mul3A_124 : i32 to index
    %swap3A_153 = arith.constant 0 : index
    %swap3A_154 = vector.load %arg19[%swap3A_152, %swap3A_153] : memref<2048x1xf32, #tpu.memory_space<vmem>>, vector<512x1xf32>
    tpu.vector_store %arg19[%swap3A_152, %swap3A_153], %add3A_151 {strides = array<i32>} : memref<2048x1xf32, #tpu.memory_space<vmem>>, vector<512x1xf32>,
    %get3A_155 = arith.constant 7 : index
    %get3A_156 = memref.load %arg16[%get3A_155] : memref<8xf32, #tpu.memory_space<smem>>
    %add3A_157 = vector.broadcast %get3A_156 : f32 to vector<512x1xf32>
    %add3A_158 = arith.addf %dot_general3A_144, %add3A_157 : vector<512x1xf32>
    %swap3A_159 = arith.index_cast %mul3A_124 : i32 to index
    %swap3A_160 = arith.constant 0 : index
    %swap3A_161 = vector.load %arg20[%swap3A_159, %swap3A_160] : memref<2048x1xf32, #tpu.memory_space<vmem>>, vector<512x1xf32>
    tpu.vector_store %arg20[%swap3A_159, %swap3A_160], %add3A_158 {strides = array<i32>} : memref<2048x1xf32, #tpu.memory_space<vmem>>, vector<512x1xf32>,
    %get3A_162 = arith.constant 6 : index
    %get3A_163 = memref.load %arg16[%get3A_162] : memref<8xf32, #tpu.memory_space<smem>>
    %reduce_sum3A_164 = vector.shape_cast %convert_element_type3A_54 : vector<512x1xf32> to vector<1x512x1xf32>
    %reduce_sum3A_165 = arith.constant dense<0.000000e+00> : vector<1xf32>
    %reduce_sum3A_166 = vector.multi_reduction <add>, %reduce_sum3A_164, %reduce_sum3A_165 [1, 2] : vector<1x512x1xf32> to vector<1xf32>
    %reduce_sum3A_167 = vector.shape_cast %reduce_sum3A_166 : vector<1xf32> to vector<1x1x1xf32>
    %reduce_sum3A_168 = vector.extract %reduce_sum3A_167[0, 0, 0] : f32 from vector<1x1x1xf32>
    %add3A_169 = arith.addf %get3A_163, %reduce_sum3A_168 : f32
    %swap3A_170 = arith.constant 6 : index
    %swap3A_171 = memref.load %arg16[%swap3A_170] : memref<8xf32, #tpu.memory_space<smem>>
    memref.store %add3A_169, %arg16[%swap3A_170] : memref<8xf32, #tpu.memory_space<smem>>
    %get3A_172 = arith.constant 7 : index
    %get3A_173 = memref.load %arg16[%get3A_172] : memref<8xf32, #tpu.memory_space<smem>>
    %reduce_sum3A_174 = vector.shape_cast %convert_element_type3A_59 : vector<512x1xf32> to vector<1x512x1xf32>
    %reduce_sum3A_175 = arith.constant dense<0.000000e+00> : vector<1xf32>
    %reduce_sum3A_176 = vector.multi_reduction <add>, %reduce_sum3A_174, %reduce_sum3A_175 [1, 2] : vector<1x512x1xf32> to vector<1xf32>
    %reduce_sum3A_177 = vector.shape_cast %reduce_sum3A_176 : vector<1xf32> to vector<1x1x1xf32>
    %reduce_sum3A_178 = vector.extract %reduce_sum3A_177[0, 0, 0] : f32 from vector<1x1x1xf32>
    %add3A_179 = arith.addf %get3A_173, %reduce_sum3A_178 : f32
    %swap3A_180 = arith.constant 7 : index
    %swap3A_181 = memref.load %arg16[%swap3A_180] : memref<8xf32, #tpu.memory_space<smem>>
    memref.store %add3A_179, %arg16[%swap3A_180] : memref<8xf32, #tpu.memory_space<smem>>
    %get3A_182 = arith.constant 0 : index
    %get3A_183 = memref.load %arg16[%get3A_182] : memref<8xf32, #tpu.memory_space<smem>>
    %reduce_sum3A_184 = vector.shape_cast %convert_element_type3A_39 : vector<512x1xf32> to vector<1x512x1xf32>
    %reduce_sum3A_185 = arith.constant dense<0.000000e+00> : vector<1xf32>
    %reduce_sum3A_186 = vector.multi_reduction <add>, %reduce_sum3A_184, %reduce_sum3A_185 [1, 2] : vector<1x512x1xf32> to vector<1xf32>
    %reduce_sum3A_187 = vector.shape_cast %reduce_sum3A_186 : vector<1xf32> to vector<1x1x1xf32>
    %reduce_sum3A_188 = vector.extract %reduce_sum3A_187[0, 0, 0] : f32 from vector<1x1x1xf32>
    %add3A_189 = arith.addf %get3A_183, %reduce_sum3A_188 : f32
    %swap3A_190 = arith.constant 0 : index
    %swap3A_191 = memref.load %arg16[%swap3A_190] : memref<8xf32, #tpu.memory_space<smem>>
    memref.store %add3A_189, %arg16[%swap3A_190] : memref<8xf32, #tpu.memory_space<smem>>
    %get3A_192 = arith.constant 1 : index
    %get3A_193 = memref.load %arg16[%get3A_192] : memref<8xf32, #tpu.memory_space<smem>>
    %slice3A_194 = vector.extract_strided_slice %div3A_35 {offsets = [0, 0], sizes = [512, 1], strides = [1, 1]} : vector<512x2xf32> to vector<512x1xf32>
    %reduce_sum3A_195 = vector.shape_cast %slice3A_194 : vector<512x1xf32> to vector<1x512x1xf32>
    %reduce_sum3A_196 = arith.constant dense<0.000000e+00> : vector<1xf32>
    %reduce_sum3A_197 = vector.multi_reduction <add>, %reduce_sum3A_195, %reduce_sum3A_196 [1, 2] : vector<1x512x1xf32> to vector<1xf32>
    %reduce_sum3A_198 = vector.shape_cast %reduce_sum3A_197 : vector<1xf32> to vector<1x1x1xf32>
    %reduce_sum3A_199 = vector.extract %reduce_sum3A_198[0, 0, 0] : f32 from vector<1x1x1xf32>
    %add3A_200 = arith.addf %get3A_193, %reduce_sum3A_199 : f32
    %swap3A_201 = arith.constant 1 : index
    %swap3A_202 = memref.load %arg16[%swap3A_201] : memref<8xf32, #tpu.memory_space<smem>>
    memref.store %add3A_200, %arg16[%swap3A_201] : memref<8xf32, #tpu.memory_space<smem>>
    %get3A_203 = arith.constant 2 : index
    %get3A_204 = memref.load %arg16[%get3A_203] : memref<8xf32, #tpu.memory_space<smem>>
    %reduce_sum3A_205 = vector.shape_cast %convert_element_type3A_54 : vector<512x1xf32> to vector<1x512x1xf32>
    %reduce_sum3A_206 = arith.constant dense<0.000000e+00> : vector<1xf32>
    %reduce_sum3A_207 = vector.multi_reduction <add>, %reduce_sum3A_205, %reduce_sum3A_206 [1, 2] : vector<1x512x1xf32> to vector<1xf32>
    %reduce_sum3A_208 = vector.shape_cast %reduce_sum3A_207 : vector<1xf32> to vector<1x1x1xf32>
    %reduce_sum3A_209 = vector.extract %reduce_sum3A_208[0, 0, 0] : f32 from vector<1x1x1xf32>
    %add3A_210 = arith.addf %get3A_204, %reduce_sum3A_209 : f32
    %swap3A_211 = arith.constant 2 : index
    %swap3A_212 = memref.load %arg16[%swap3A_211] : memref<8xf32, #tpu.memory_space<smem>>
    memref.store %add3A_210, %arg16[%swap3A_211] : memref<8xf32, #tpu.memory_space<smem>>
    %get3A_213 = arith.constant 3 : index
    %get3A_214 = memref.load %arg16[%get3A_213] : memref<8xf32, #tpu.memory_space<smem>>
    %reduce_sum3A_215 = vector.shape_cast %div3A_73 : vector<512x1xf32> to vector<1x512x1xf32>
    %reduce_sum3A_216 = arith.constant dense<0.000000e+00> : vector<1xf32>
    %reduce_sum3A_217 = vector.multi_reduction <add>, %reduce_sum3A_215, %reduce_sum3A_216 [1, 2] : vector<1x512x1xf32> to vector<1xf32>
    %reduce_sum3A_218 = vector.shape_cast %reduce_sum3A_217 : vector<1xf32> to vector<1x1x1xf32>
    %reduce_sum3A_219 = vector.extract %reduce_sum3A_218[0, 0, 0] : f32 from vector<1x1x1xf32>
    %add3A_220 = arith.addf %get3A_214, %reduce_sum3A_219 : f32
    %swap3A_221 = arith.constant 3 : index
    %swap3A_222 = memref.load %arg16[%swap3A_221] : memref<8xf32, #tpu.memory_space<smem>>
    memref.store %add3A_220, %arg16[%swap3A_221] : memref<8xf32, #tpu.memory_space<smem>>
    %get3A_223 = arith.constant 4 : index
    %get3A_224 = memref.load %arg16[%get3A_223] : memref<8xf32, #tpu.memory_space<smem>>
    %reduce_sum3A_225 = vector.shape_cast %convert_element_type3A_59 : vector<512x1xf32> to vector<1x512x1xf32>
    %reduce_sum3A_226 = arith.constant dense<0.000000e+00> : vector<1xf32>
    %reduce_sum3A_227 = vector.multi_reduction <add>, %reduce_sum3A_225, %reduce_sum3A_226 [1, 2] : vector<1x512x1xf32> to vector<1xf32>
    %reduce_sum3A_228 = vector.shape_cast %reduce_sum3A_227 : vector<1xf32> to vector<1x1x1xf32>
    %reduce_sum3A_229 = vector.extract %reduce_sum3A_228[0, 0, 0] : f32 from vector<1x1x1xf32>
    %add3A_230 = arith.addf %get3A_224, %reduce_sum3A_229 : f32
    %swap3A_231 = arith.constant 4 : index
    %swap3A_232 = memref.load %arg16[%swap3A_231] : memref<8xf32, #tpu.memory_space<smem>>
    memref.store %add3A_230, %arg16[%swap3A_231] : memref<8xf32, #tpu.memory_space<smem>>
    %get3A_233 = arith.constant 5 : index
    %get3A_234 = memref.load %arg16[%get3A_233] : memref<8xf32, #tpu.memory_space<smem>>
    %reduce_sum3A_235 = vector.shape_cast %div3A_87 : vector<512x1xf32> to vector<1x512x1xf32>
    %reduce_sum3A_236 = arith.constant dense<0.000000e+00> : vector<1xf32>
    %reduce_sum3A_237 = vector.multi_reduction <add>, %reduce_sum3A_235, %reduce_sum3A_236 [1, 2] : vector<1x512x1xf32> to vector<1xf32>
    %reduce_sum3A_238 = vector.shape_cast %reduce_sum3A_237 : vector<1xf32> to vector<1x1x1xf32>
    %reduce_sum3A_239 = vector.extract %reduce_sum3A_238[0, 0, 0] : f32 from vector<1x1x1xf32>
    %add3A_240 = arith.addf %get3A_234, %reduce_sum3A_239 : f32
    %swap3A_241 = arith.constant 5 : index
    %swap3A_242 = memref.load %arg16[%swap3A_241] : memref<8xf32, #tpu.memory_space<smem>>
    memref.store %add3A_240, %arg16[%swap3A_241] : memref<8xf32, #tpu.memory_space<smem>>
    %eq3A_243 = arith.constant 3 : i32
    %eq3A_244 = arith.cmpi eq, %arg0, %eq3A_243 : i32
    %convert_element_type3A_245 = arith.extui %eq3A_244 : i1 to i32
    %cond3A_246 = arith.constant 0 : i32
    %cond3A_247 = arith.cmpi ne, %convert_element_type3A_245, %cond3A_246 : i32
    scf.if %cond3A_247 {
      %get3A_248 = arith.constant 0 : index
      %get3A_249 = memref.load %arg16[%get3A_248] : memref<8xf32, #tpu.memory_space<smem>>
      %div3A_250 = arith.constant 2.048000e+03 : f32
      %div3A_251 = arith.divf %get3A_249, %div3A_250 : f32
      %get3A_252 = arith.constant 1 : index
      %get3A_253 = memref.load %arg16[%get3A_252] : memref<8xf32, #tpu.memory_space<smem>>
      %div3A_254 = arith.constant 2.048000e+03 : f32
      %div3A_255 = arith.divf %get3A_253, %div3A_254 : f32
      %mul3A_256 = arith.mulf %div3A_251, %div3A_255 : f32
      %sub3A_257 = arith.constant 1.000000e+00 : f32
      %sub3A_258 = arith.subf %sub3A_257, %div3A_251 : f32
      %sub3A_259 = arith.constant 1.000000e+00 : f32
      %sub3A_260 = arith.subf %sub3A_259, %div3A_255 : f32
      %mul3A_261 = arith.mulf %sub3A_258, %sub3A_260 : f32
      %add3A_262 = arith.addf %mul3A_256, %mul3A_261 : f32
      %mul3A_263 = arith.constant 2.000000e+00 : f32
      %mul3A_264 = arith.mulf %mul3A_263, %add3A_262 : f32
      %get3A_265 = arith.constant 2 : index
      %get3A_266 = memref.load %arg16[%get3A_265] : memref<8xf32, #tpu.memory_space<smem>>
      %div3A_267 = arith.constant 2.048000e+03 : f32
      %div3A_268 = arith.divf %get3A_266, %div3A_267 : f32
      %get3A_269 = arith.constant 3 : index
      %get3A_270 = memref.load %arg16[%get3A_269] : memref<8xf32, #tpu.memory_space<smem>>
      %div3A_271 = arith.constant 2.048000e+03 : f32
      %div3A_272 = arith.divf %get3A_270, %div3A_271 : f32
      %get3A_273 = arith.constant 4 : index
      %get3A_274 = memref.load %arg16[%get3A_273] : memref<8xf32, #tpu.memory_space<smem>>
      %div3A_275 = arith.constant 2.048000e+03 : f32
      %div3A_276 = arith.divf %get3A_274, %div3A_275 : f32
      %get3A_277 = arith.constant 5 : index
      %get3A_278 = memref.load %arg16[%get3A_277] : memref<8xf32, #tpu.memory_space<smem>>
      %div3A_279 = arith.constant 2.048000e+03 : f32
      %div3A_280 = arith.divf %get3A_278, %div3A_279 : f32
      %mul3A_281 = arith.mulf %div3A_268, %div3A_272 : f32
      %sub3A_282 = arith.constant 1.000000e+00 : f32
      %sub3A_283 = arith.subf %sub3A_282, %div3A_268 : f32
      %sub3A_284 = arith.constant 1.000000e+00 : f32
      %sub3A_285 = arith.subf %sub3A_284, %div3A_272 : f32
      %mul3A_286 = arith.mulf %sub3A_283, %sub3A_285 : f32
      %add3A_287 = arith.addf %mul3A_281, %mul3A_286 : f32
      %mul3A_288 = arith.constant 2.000000e+00 : f32
      %mul3A_289 = arith.mulf %mul3A_288, %add3A_287 : f32
      %mul3A_290 = arith.mulf %div3A_276, %div3A_280 : f32
      %sub3A_291 = arith.constant 1.000000e+00 : f32
      %sub3A_292 = arith.subf %sub3A_291, %div3A_276 : f32
      %sub3A_293 = arith.constant 1.000000e+00 : f32
      %sub3A_294 = arith.subf %sub3A_293, %div3A_280 : f32
      %mul3A_295 = arith.mulf %sub3A_292, %sub3A_294 : f32
      %add3A_296 = arith.addf %mul3A_290, %mul3A_295 : f32
      %mul3A_297 = arith.constant 2.000000e+00 : f32
      %mul3A_298 = arith.mulf %mul3A_297, %add3A_296 : f32
      %add3A_299 = arith.addf %mul3A_289, %mul3A_298 : f32
      %div3A_300 = arith.constant 2.000000e+00 : f32
      %div3A_301 = arith.divf %add3A_299, %div3A_300 : f32
      %add3A_302 = arith.addf %mul3A_264, %div3A_301 : f32
      %mul3A_303 = arith.constant 0.00999999977 : f32
      %mul3A_304 = arith.mulf %mul3A_303, %add3A_302 : f32
      %reshape3A = vector.broadcast %mul3A_304 : f32 to vector<1x1xf32>
      %swap3A_305 = arith.constant 0 : index
      %swap3A_306 = arith.constant 0 : index
      %swap3A_307 = vector.load %arg9[%swap3A_305, %swap3A_306] : memref<1x1xf32, #tpu.memory_space<vmem>>, vector<1x1xf32>
      tpu.vector_store %arg9[%swap3A_305, %swap3A_306], %reshape3A {strides = array<i32>} : memref<1x1xf32, #tpu.memory_space<vmem>>, vector<1x1xf32>,
      %iota3A_308 = tpu.iota {dimensions = array<i32: 0>} : vector<2048x1xi32>
      %convert_element_type3A_309 = arith.sitofp %iota3A_308 : vector<2048x1xi32> to vector<2048x1xf32>
      %add3A_310 = arith.constant 1.000000e+00 : f32
      %add3A_311 = vector.broadcast %add3A_310 : f32 to vector<2048x1xf32>
      %add3A_312 = arith.addf %convert_element_type3A_309, %add3A_311 : vector<2048x1xf32>
      %get3A_313 = arith.constant 6 : index
      %get3A_314 = memref.load %arg16[%get3A_313] : memref<8xf32, #tpu.memory_space<smem>>
      %get3A_315 = arith.constant 0 : index
      %get3A_316 = arith.constant 0 : index
      %get3A_317 = vector.load %arg17[%get3A_315, %get3A_316] : memref<2048x1xf32, #tpu.memory_space<vmem>>, vector<2048x1xf32>
      %get3A_318 = arith.constant 0 : index
      %get3A_319 = arith.constant 0 : index
      %get3A_320 = vector.load %arg19[%get3A_318, %get3A_319] : memref<2048x1xf32, #tpu.memory_space<vmem>>, vector<2048x1xf32>
      %add3A_321 = arith.constant 5.110000e+02 : f32
      %add3A_322 = arith.addf %get3A_314, %add3A_321 : f32
      %mul3A_323 = arith.constant 0.001953125 : f32
      %mul3A_324 = arith.mulf %add3A_322, %mul3A_323 : f32
      %floor3A = math.floor %mul3A_324 : f32
      %mul3A_325 = arith.constant 5.120000e+02 : f32
      %mul3A_326 = arith.mulf %floor3A, %mul3A_325 : f32
      %sub3A_327 = arith.subf %add3A_312, %get3A_320 : vector<2048x1xf32>
      %eq3A_328 = arith.constant 0.000000e+00 : f32
      %eq3A_329 = vector.broadcast %eq3A_328 : f32 to vector<2048x1xf32>
      %eq3A_330 = arith.cmpf oeq, %get3A_317, %eq3A_329 : vector<2048x1xf32>
      %sub3A_331 = arith.constant 1.000000e+00 : f32
      %sub3A_332 = vector.broadcast %sub3A_331 : f32 to vector<2048x1xf32>
      %sub3A_333 = arith.subf %get3A_320, %sub3A_332 : vector<2048x1xf32>
      %add3A_334 = vector.broadcast %mul3A_326 : f32 to vector<2048x1xf32>
      %add3A_335 = arith.addf %add3A_334, %sub3A_327 : vector<2048x1xf32>
      %sub3A_336 = arith.constant 1.000000e+00 : f32
      %sub3A_337 = vector.broadcast %sub3A_336 : f32 to vector<2048x1xf32>
      %sub3A_338 = arith.subf %add3A_335, %sub3A_337 : vector<2048x1xf32>
      %select_n3A = arith.select %eq3A_330, %sub3A_333, %sub3A_338 : vector<2048x1xi1>, vector<2048x1xf32>
      %get3A_339 = arith.constant 7 : index
      %get3A_340 = memref.load %arg16[%get3A_339] : memref<8xf32, #tpu.memory_space<smem>>
      %get3A_341 = arith.constant 0 : index
      %get3A_342 = arith.constant 0 : index
      %get3A_343 = vector.load %arg18[%get3A_341, %get3A_342] : memref<2048x1xf32, #tpu.memory_space<vmem>>, vector<2048x1xf32>
      %get3A_344 = arith.constant 0 : index
      %get3A_345 = arith.constant 0 : index
      %get3A_346 = vector.load %arg20[%get3A_344, %get3A_345] : memref<2048x1xf32, #tpu.memory_space<vmem>>, vector<2048x1xf32>
      %add3A_347 = arith.constant 5.110000e+02 : f32
      %add3A_348 = arith.addf %get3A_340, %add3A_347 : f32
      %mul3A_349 = arith.constant 0.001953125 : f32
      %mul3A_350 = arith.mulf %add3A_348, %mul3A_349 : f32
      %floor3A_351 = math.floor %mul3A_350 : f32
      %mul3A_352 = arith.constant 5.120000e+02 : f32
      %mul3A_353 = arith.mulf %floor3A_351, %mul3A_352 : f32
      %sub3A_354 = arith.subf %add3A_312, %get3A_346 : vector<2048x1xf32>
      %eq3A_355 = arith.constant 0.000000e+00 : f32
      %eq3A_356 = vector.broadcast %eq3A_355 : f32 to vector<2048x1xf32>
      %eq3A_357 = arith.cmpf oeq, %get3A_343, %eq3A_356 : vector<2048x1xf32>
      %sub3A_358 = arith.constant 1.000000e+00 : f32
      %sub3A_359 = vector.broadcast %sub3A_358 : f32 to vector<2048x1xf32>
      %sub3A_360 = arith.subf %get3A_346, %sub3A_359 : vector<2048x1xf32>
      %add3A_361 = vector.broadcast %mul3A_353 : f32 to vector<2048x1xf32>
      %add3A_362 = arith.addf %add3A_361, %sub3A_354 : vector<2048x1xf32>
      %sub3A_363 = arith.constant 1.000000e+00 : f32
      %sub3A_364 = vector.broadcast %sub3A_363 : f32 to vector<2048x1xf32>
      %sub3A_365 = arith.subf %add3A_362, %sub3A_364 : vector<2048x1xf32>
      %select_n3A_366 = arith.select %eq3A_357, %sub3A_360, %sub3A_365 : vector<2048x1xi1>, vector<2048x1xf32>
      %convert_element_type3A_367 = arith.fptosi %select_n3A : vector<2048x1xf32> to vector<2048x1xi32>
      %swap3A_368 = arith.constant 0 : index
      %swap3A_369 = arith.constant 0 : index
      %swap3A_370 = vector.load %arg12[%swap3A_368, %swap3A_369] : memref<2048x1xi32, #tpu.memory_space<vmem>>, vector<2048x1xi32>
      tpu.vector_store %arg12[%swap3A_368, %swap3A_369], %convert_element_type3A_367 {strides = array<i32>} : memref<2048x1xi32, #tpu.memory_space<vmem>>, vector<2048x1xi32>,
      %add3A_371 = arith.constant 2.560000e+03 : f32
      %add3A_372 = vector.broadcast %add3A_371 : f32 to vector<2048x1xf32>
      %add3A_373 = arith.addf %select_n3A_366, %add3A_372 : vector<2048x1xf32>
      %convert_element_type3A_374 = arith.fptosi %add3A_373 : vector<2048x1xf32> to vector<2048x1xi32>
      %swap3A_375 = arith.constant 0 : index
      %swap3A_376 = arith.constant 0 : index
      %swap3A_377 = vector.load %arg13[%swap3A_375, %swap3A_376] : memref<2048x1xi32, #tpu.memory_space<vmem>>, vector<2048x1xi32>
      tpu.vector_store %arg13[%swap3A_375, %swap3A_376], %convert_element_type3A_374 {strides = array<i32>} : memref<2048x1xi32, #tpu.memory_space<vmem>>, vector<2048x1xi32>,
      %iota3A_378 = tpu.iota {dimensions = array<i32: 1>} : vector<1x32xi32>
      %convert_element_type3A_379 = arith.sitofp %iota3A_378 : vector<1x32xi32> to vector<1x32xf32>
      %mul3A_380 = arith.constant 5.120000e+02 : f32
      %mul3A_381 = vector.broadcast %mul3A_380 : f32 to vector<1x32xf32>
      %mul3A_382 = arith.mulf %convert_element_type3A_379, %mul3A_381 : vector<1x32xf32>
      %lt3A = vector.broadcast %mul3A_326 : f32 to vector<1x32xf32>
      %lt3A_383 = arith.cmpf olt, %mul3A_382, %lt3A : vector<1x32xf32>
      %jit3A = arith.constant 0.000000e+00 : f32
      %jit3A_384 = arith.constant 1.000000e+00 : f32
      %broadcast_in_dim3A_385 = vector.broadcast %jit3A : f32 to vector<1x32xf32>
      %broadcast_in_dim3A_386 = vector.broadcast %jit3A_384 : f32 to vector<1x32xf32>
      %select_n3A_387 = arith.select %lt3A_383, %broadcast_in_dim3A_385, %broadcast_in_dim3A_386 : vector<1x32xi1>, vector<1x32xf32>
      %sub3A_388 = arith.constant 5.000000e+00 : f32
      %sub3A_389 = vector.broadcast %sub3A_388 : f32 to vector<1x32xf32>
      %sub3A_390 = arith.subf %convert_element_type3A_379, %sub3A_389 : vector<1x32xf32>
      %mul3A_391 = arith.constant 5.120000e+02 : f32
      %mul3A_392 = vector.broadcast %mul3A_391 : f32 to vector<1x32xf32>
      %mul3A_393 = arith.mulf %sub3A_390, %mul3A_392 : vector<1x32xf32>
      %lt3A_394 = vector.broadcast %mul3A_353 : f32 to vector<1x32xf32>
      %lt3A_395 = arith.cmpf olt, %mul3A_393, %lt3A_394 : vector<1x32xf32>
      %jit3A_396 = arith.constant 2.000000e+00 : f32
      %jit3A_397 = arith.constant 3.000000e+00 : f32
      %broadcast_in_dim3A_398 = vector.broadcast %jit3A_396 : f32 to vector<1x32xf32>
      %broadcast_in_dim3A_399 = vector.broadcast %jit3A_397 : f32 to vector<1x32xf32>
      %select_n3A_400 = arith.select %lt3A_395, %broadcast_in_dim3A_398, %broadcast_in_dim3A_399 : vector<1x32xi1>, vector<1x32xf32>
      %lt3A_401 = arith.constant 5.000000e+00 : f32
      %lt3A_402 = vector.broadcast %lt3A_401 : f32 to vector<1x32xf32>
      %lt3A_403 = arith.cmpf olt, %convert_element_type3A_379, %lt3A_402 : vector<1x32xf32>
      %lt3A_404 = arith.constant 1.000000e+01 : f32
      %lt3A_405 = vector.broadcast %lt3A_404 : f32 to vector<1x32xf32>
      %lt3A_406 = arith.cmpf olt, %convert_element_type3A_379, %lt3A_405 : vector<1x32xf32>
      %jit3A_407 = arith.constant 0.000000e+00 : f32
      %broadcast_in_dim3A_408 = vector.broadcast %jit3A_407 : f32 to vector<1x32xf32>
      %select_n3A_409 = arith.select %lt3A_406, %select_n3A_400, %broadcast_in_dim3A_408 : vector<1x32xi1>, vector<1x32xf32>
      %select_n3A_410 = arith.select %lt3A_403, %select_n3A_387, %select_n3A_409 : vector<1x32xi1>, vector<1x32xf32>
      %convert_element_type3A_411 = arith.fptosi %select_n3A_410 : vector<1x32xf32> to vector<1x32xi32>
      %swap3A_412 = arith.constant 0 : index
      %swap3A_413 = arith.constant 0 : index
      %swap3A_414 = vector.load %arg14[%swap3A_412, %swap3A_413] : memref<1x32xi32, #tpu.memory_space<vmem>>, vector<1x32xi32>
      tpu.vector_store %arg14[%swap3A_412, %swap3A_413], %convert_element_type3A_411 {strides = array<i32>} : memref<1x32xi32, #tpu.memory_space<vmem>>, vector<1x32xi32>,
    } else {
    }
    return
  }
  func.func @transform_0(%arg0: i32) -> (i32, i32) {
    %c0_i32 = arith.constant 0 : i32
    %c0_i32_0 = arith.constant 0 : i32
    return %arg0, %c0_i32 : i32, i32
  }
  func.func @transform_1(%arg0: i32) -> (i32, i32) {
    %c0_i32 = arith.constant 0 : i32
    %c0_i32_0 = arith.constant 0 : i32
    %c0_i32_1 = arith.constant 0 : i32
    return %c0_i32, %c0_i32_0 : i32, i32
  }
  func.func @transform_2(%arg0: i32) -> (i32, i32) {
    %c0_i32 = arith.constant 0 : i32
    %c0_i32_0 = arith.constant 0 : i32
    %c0_i32_1 = arith.constant 0 : i32
    return %c0_i32, %c0_i32_0 : i32, i32
  }
  func.func @transform_3(%arg0: i32) -> (i32, i32) {
    %c0_i32 = arith.constant 0 : i32
    %c0_i32_0 = arith.constant 0 : i32
    %c0_i32_1 = arith.constant 0 : i32
    return %c0_i32, %c0_i32_0 : i32, i32
  }
  func.func @transform_4(%arg0: i32) -> (i32, i32) {
    %c0_i32 = arith.constant 0 : i32
    %c0_i32_0 = arith.constant 0 : i32
    %c0_i32_1 = arith.constant 0 : i32
    return %c0_i32, %c0_i32_0 : i32, i32
  }
  func.func @transform_5(%arg0: i32) -> (i32, i32) {
    %c0_i32 = arith.constant 0 : i32
    %c0_i32_0 = arith.constant 0 : i32
    %c0_i32_1 = arith.constant 0 : i32
    return %c0_i32, %c0_i32_0 : i32, i32
  }
  func.func @transform_6(%arg0: i32) -> (i32, i32) {
    %c0_i32 = arith.constant 0 : i32
    %c0_i32_0 = arith.constant 0 : i32
    %c0_i32_1 = arith.constant 0 : i32
    return %c0_i32, %c0_i32_0 : i32, i32
  }
  func.func @transform_7(%arg0: i32) -> (i32, i32) {
    %c0_i32 = arith.constant 0 : i32
    %c0_i32_0 = arith.constant 0 : i32
    return %arg0, %c0_i32 : i32, i32
  }
  func.func @transform_8(%arg0: i32) -> (i32, i32) {
    %c0_i32 = arith.constant 0 : i32
    %c0_i32_0 = arith.constant 0 : i32
    %c0_i32_1 = arith.constant 0 : i32
    return %c0_i32, %c0_i32_0 : i32, i32
  }
  func.func @transform_9(%arg0: i32) -> (i32, i32) {
    %c0_i32 = arith.constant 0 : i32
    %c0_i32_0 = arith.constant 0 : i32
    return %arg0, %c0_i32 : i32, i32
  }
  func.func @transform_10(%arg0: i32) -> (i32, i32) {
    %c0_i32 = arith.constant 0 : i32
    %c0_i32_0 = arith.constant 0 : i32
    return %arg0, %c0_i32 : i32, i32
  }
  func.func @transform_11(%arg0: i32) -> (i32, i32) {
    %c0_i32 = arith.constant 0 : i32
    %c0_i32_0 = arith.constant 0 : i32
    %c0_i32_1 = arith.constant 0 : i32
    return %c0_i32, %c0_i32_0 : i32, i32
  }
  func.func @transform_12(%arg0: i32) -> (i32, i32) {
    %c0_i32 = arith.constant 0 : i32
    %c0_i32_0 = arith.constant 0 : i32
    %c0_i32_1 = arith.constant 0 : i32
    return %c0_i32, %c0_i32_0 : i32, i32
  }
  func.func @transform_13(%arg0: i32) -> (i32, i32) {
    %c0_i32 = arith.constant 0 : i32
    %c0_i32_0 = arith.constant 0 : i32
    %c0_i32_1 = arith.constant 0 : i32
    return %c0_i32, %c0_i32_0 : i32, i32
  }
  func.func @transform_14(%arg0: i32) -> (i32, i32) {
    %c0_i32 = arith.constant 0 : i32
    %c0_i32_0 = arith.constant 0 : i32
    return %arg0, %c0_i32 : i32, i32
  }
}

module attributes {stable_mosaic.version = 14 : i64} {
  func.func @_expert_body(%arg0: i32, %arg1: memref<32xi32, #tpu.memory_space<smem>>, %arg2: memref<512x512xi32, #tpu.memory_space<vmem>>, %arg3: memref<1x2048x1024xf32, #tpu.memory_space<vmem>>, %arg4: memref<1x1x2048xf32, #tpu.memory_space<vmem>>, %arg5: memref<1x512x2048xf32, #tpu.memory_space<vmem>>, %arg6: memref<1x1x512xf32, #tpu.memory_space<vmem>>, %arg7: memref<1x1x512xf32, #tpu.memory_space<vmem>>, %arg8: memref<1x1x512xf32, #tpu.memory_space<vmem>>, %arg9: memref<1x512xf32, #tpu.memory_space<vmem>>, %arg10: memref<1x512xf32, #tpu.memory_space<vmem>>, %arg11: memref<512x1xf32, #tpu.memory_space<vmem>>, %arg12: memref<512x1xf32, #tpu.memory_space<vmem>>) attributes {dimension_semantics = [#tpu.dimension_semantics<arbitrary>], iteration_bounds = array<i64: 10>, scalar_prefetch = 1 : i64, scratch_operands = 0 : i64, tpu.core_type = #tpu.core_type<tc>, window_params = [{transform_indices = @transform_0, window_bounds = array<i64: 512, 512>}, {transform_indices = @transform_1, window_bounds = array<i64: 1, 2048, 1024>}, {transform_indices = @transform_2, window_bounds = array<i64: 1, 1, 2048>}, {transform_indices = @transform_3, window_bounds = array<i64: 1, 512, 2048>}, {transform_indices = @transform_4, window_bounds = array<i64: 1, 1, 512>}, {transform_indices = @transform_5, window_bounds = array<i64: 1, 1, 512>}, {transform_indices = @transform_6, window_bounds = array<i64: 1, 1, 512>}, {pipeline_mode = #tpu.pipeline_mode<synchronous>, transform_indices = @transform_7, window_bounds = array<i64: 1, 512>}, {pipeline_mode = #tpu.pipeline_mode<synchronous>, transform_indices = @transform_8, window_bounds = array<i64: 1, 512>}, {transform_indices = @transform_9, window_bounds = array<i64: 512, 1>}, {transform_indices = @transform_10, window_bounds = array<i64: 512, 1>}]} {
    %get3A = arith.constant 0 : index
    %get3A_0 = arith.constant 0 : index
    %get3A_1 = vector.load %arg2[%get3A, %get3A_0] : memref<512x512xi32, #tpu.memory_space<vmem>>, vector<512x512xi32>
    %bitcast_convert_type3A = tpu.bitcast %get3A_1 : vector<512x512xi32> -> vector<512x512xi32>
    %and3A = arith.constant 65535 : i32
    %and3A_2 = vector.broadcast %and3A : i32 to vector<512x512xi32>
    %and3A_3 = arith.andi %bitcast_convert_type3A, %and3A_2 : vector<512x512xi32>
    %convert_element_type3A = arith.trunci %and3A_3 : vector<512x512xi32> to vector<512x512xi16>
    %bitcast_convert_type3A_4 = tpu.bitcast %convert_element_type3A : vector<512x512xi16> -> vector<512x512xbf16>
    %shift_right_logical3A = arith.constant 16 : i32
    %shift_right_logical3A_5 = vector.broadcast %shift_right_logical3A : i32 to vector<512x512xi32>
    %shift_right_logical3A_6 = arith.shrui %bitcast_convert_type3A, %shift_right_logical3A_5 : vector<512x512xi32>
    %convert_element_type3A_7 = arith.trunci %shift_right_logical3A_6 : vector<512x512xi32> to vector<512x512xi16>
    %bitcast_convert_type3A_8 = tpu.bitcast %convert_element_type3A_7 : vector<512x512xi16> -> vector<512x512xbf16>
    %concatenate3A = tpu.concatenate %bitcast_convert_type3A_4, %bitcast_convert_type3A_8 in 1 : vector<512x512xbf16>, vector<512x512xbf16> -> vector<512x1024xbf16>
    %convert_element_type3A_9 = arith.extf %concatenate3A : vector<512x1024xbf16> to vector<512x1024xf32>
    %get3A_10 = arith.constant 0 : index
    %get3A_11 = arith.constant 0 : index
    %get3A_12 = arith.constant 0 : index
    %get3A_13 = vector.load %arg3[%get3A_10, %get3A_11, %get3A_12] : memref<1x2048x1024xf32, #tpu.memory_space<vmem>>, vector<1x2048x1024xf32>
    %get3A_14 = vector.shape_cast %get3A_13 : vector<1x2048x1024xf32> to vector<2048x1024xf32>
    %dot_general3A = arith.constant dense<0.000000e+00> : vector<512x2048xf32>
    %dot_general3A_15 = tpu.matmul %convert_element_type3A_9, %get3A_14, %dot_general3A {dimension_numbers = #tpu.dot_dimension_numbers<[1], [1], [0], [0], [0, 0, 1, 0], [], []>, transpose_lhs_hint = false} : vector<512x1024xf32>, vector<2048x1024xf32>, vector<512x2048xf32> -> vector<512x2048xf32>
    %get3A_16 = arith.constant 0 : index
    %get3A_17 = arith.constant 0 : index
    %get3A_18 = arith.constant 0 : index
    %get3A_19 = vector.load %arg4[%get3A_16, %get3A_17, %get3A_18] : memref<1x1x2048xf32, #tpu.memory_space<vmem>>, vector<1x1x2048xf32>
    %get3A_20 = vector.shape_cast %get3A_19 : vector<1x1x2048xf32> to vector<1x2048xf32>
    %add3A = vector.broadcast %get3A_20 : vector<1x2048xf32> to vector<512x2048xf32>
    %add3A_21 = arith.addf %dot_general3A_15, %add3A : vector<512x2048xf32>
    %mul3A = arith.constant 5.000000e-01 : f32
    %mul3A_22 = vector.broadcast %mul3A : f32 to vector<512x2048xf32>
    %mul3A_23 = arith.mulf %mul3A_22, %add3A_21 : vector<512x2048xf32>
    %mul3A_24 = arith.constant 0.707106769 : f32
    %mul3A_25 = vector.broadcast %mul3A_24 : f32 to vector<512x2048xf32>
    %mul3A_26 = arith.mulf %add3A_21, %mul3A_25 : vector<512x2048xf32>
    %erf3A = math.erf %mul3A_26 : vector<512x2048xf32>
    %add3A_27 = arith.constant 1.000000e+00 : f32
    %add3A_28 = vector.broadcast %add3A_27 : f32 to vector<512x2048xf32>
    %add3A_29 = arith.addf %add3A_28, %erf3A : vector<512x2048xf32>
    %mul3A_30 = arith.mulf %mul3A_23, %add3A_29 : vector<512x2048xf32>
    %get3A_31 = arith.constant 0 : index
    %get3A_32 = arith.constant 0 : index
    %get3A_33 = arith.constant 0 : index
    %get3A_34 = vector.load %arg5[%get3A_31, %get3A_32, %get3A_33] : memref<1x512x2048xf32, #tpu.memory_space<vmem>>, vector<1x512x2048xf32>
    %get3A_35 = vector.shape_cast %get3A_34 : vector<1x512x2048xf32> to vector<512x2048xf32>
    %dot_general3A_36 = arith.constant dense<0.000000e+00> : vector<512x512xf32>
    %dot_general3A_37 = tpu.matmul %mul3A_30, %get3A_35, %dot_general3A_36 {dimension_numbers = #tpu.dot_dimension_numbers<[1], [1], [0], [0], [0, 0, 1, 0], [], []>, transpose_lhs_hint = false} : vector<512x2048xf32>, vector<512x2048xf32>, vector<512x512xf32> -> vector<512x512xf32>
    %get3A_38 = arith.constant 0 : index
    %get3A_39 = arith.constant 0 : index
    %get3A_40 = arith.constant 0 : index
    %get3A_41 = vector.load %arg6[%get3A_38, %get3A_39, %get3A_40] : memref<1x1x512xf32, #tpu.memory_space<vmem>>, vector<1x1x512xf32>
    %get3A_42 = vector.shape_cast %get3A_41 : vector<1x1x512xf32> to vector<1x512xf32>
    %add3A_43 = vector.broadcast %get3A_42 : vector<1x512xf32> to vector<512x512xf32>
    %add3A_44 = arith.addf %dot_general3A_37, %add3A_43 : vector<512x512xf32>
    %reduce_sum3A = arith.constant dense<0.000000e+00> : vector<512xf32>
    %reduce_sum3A_45 = vector.multi_reduction <add>, %add3A_44, %reduce_sum3A [1] : vector<512x512xf32> to vector<512xf32>
    %broadcast_in_dim3A = vector.shape_cast %reduce_sum3A_45 : vector<512xf32> to vector<512x1xf32>
    %div3A = arith.constant 5.120000e+02 : f32
    %div3A_46 = vector.broadcast %div3A : f32 to vector<512x1xf32>
    %div3A_47 = arith.divf %broadcast_in_dim3A, %div3A_46 : vector<512x1xf32>
    %sub3A = vector.broadcast %div3A_47 : vector<512x1xf32> to vector<512x512xf32>
    %sub3A_48 = arith.subf %add3A_44, %sub3A : vector<512x512xf32>
    %mul3A_49 = arith.mulf %sub3A_48, %sub3A_48 : vector<512x512xf32>
    %reduce_sum3A_50 = arith.constant dense<0.000000e+00> : vector<512xf32>
    %reduce_sum3A_51 = vector.multi_reduction <add>, %mul3A_49, %reduce_sum3A_50 [1] : vector<512x512xf32> to vector<512xf32>
    %broadcast_in_dim3A_52 = vector.shape_cast %reduce_sum3A_51 : vector<512xf32> to vector<512x1xf32>
    %div3A_53 = arith.constant 5.120000e+02 : f32
    %div3A_54 = vector.broadcast %div3A_53 : f32 to vector<512x1xf32>
    %div3A_55 = arith.divf %broadcast_in_dim3A_52, %div3A_54 : vector<512x1xf32>
    %add3A_56 = arith.constant 9.99999974E-6 : f32
    %add3A_57 = vector.broadcast %add3A_56 : f32 to vector<512x1xf32>
    %add3A_58 = arith.addf %div3A_55, %add3A_57 : vector<512x1xf32>
    %rsqrt3A = math.rsqrt %add3A_58 : vector<512x1xf32>
    %mul3A_59 = vector.broadcast %rsqrt3A : vector<512x1xf32> to vector<512x512xf32>
    %mul3A_60 = arith.mulf %sub3A_48, %mul3A_59 : vector<512x512xf32>
    %get3A_61 = arith.constant 0 : index
    %get3A_62 = arith.constant 0 : index
    %get3A_63 = arith.constant 0 : index
    %get3A_64 = vector.load %arg7[%get3A_61, %get3A_62, %get3A_63] : memref<1x1x512xf32, #tpu.memory_space<vmem>>, vector<1x1x512xf32>
    %get3A_65 = vector.shape_cast %get3A_64 : vector<1x1x512xf32> to vector<1x512xf32>
    %mul3A_66 = vector.broadcast %get3A_65 : vector<1x512xf32> to vector<512x512xf32>
    %mul3A_67 = arith.mulf %mul3A_60, %mul3A_66 : vector<512x512xf32>
    %get3A_68 = arith.constant 0 : index
    %get3A_69 = arith.constant 0 : index
    %get3A_70 = arith.constant 0 : index
    %get3A_71 = vector.load %arg8[%get3A_68, %get3A_69, %get3A_70] : memref<1x1x512xf32, #tpu.memory_space<vmem>>, vector<1x1x512xf32>
    %get3A_72 = vector.shape_cast %get3A_71 : vector<1x1x512xf32> to vector<1x512xf32>
    %add3A_73 = vector.broadcast %get3A_72 : vector<1x512xf32> to vector<512x512xf32>
    %add3A_74 = arith.addf %mul3A_67, %add3A_73 : vector<512x512xf32>
    %get3A_75 = arith.constant 0 : index
    %get3A_76 = arith.constant 0 : index
    %get3A_77 = vector.load %arg9[%get3A_75, %get3A_76] : memref<1x512xf32, #tpu.memory_space<vmem>>, vector<1x512xf32>
    %dot_general3A_78 = arith.constant dense<0.000000e+00> : vector<512x1xf32>
    %dot_general3A_79 = tpu.matmul %add3A_74, %get3A_77, %dot_general3A_78 {dimension_numbers = #tpu.dot_dimension_numbers<[1], [1], [0], [0], [0, 0, 1, 0], [], []>, transpose_lhs_hint = false} : vector<512x512xf32>, vector<1x512xf32>, vector<512x1xf32> -> vector<512x1xf32>
    %swap3A = arith.constant 0 : index
    %swap3A_80 = arith.constant 0 : index
    %swap3A_81 = vector.load %arg11[%swap3A, %swap3A_80] : memref<512x1xf32, #tpu.memory_space<vmem>>, vector<512x1xf32>
    tpu.vector_store %arg11[%swap3A, %swap3A_80], %dot_general3A_79 {strides = array<i32>} : memref<512x1xf32, #tpu.memory_space<vmem>>, vector<512x1xf32>,
    %get3A_82 = arith.constant 0 : index
    %get3A_83 = arith.constant 0 : index
    %get3A_84 = vector.load %arg10[%get3A_82, %get3A_83] : memref<1x512xf32, #tpu.memory_space<vmem>>, vector<1x512xf32>
    %dot_general3A_85 = arith.constant dense<0.000000e+00> : vector<512x1xf32>
    %dot_general3A_86 = tpu.matmul %add3A_74, %get3A_84, %dot_general3A_85 {dimension_numbers = #tpu.dot_dimension_numbers<[1], [1], [0], [0], [0, 0, 1, 0], [], []>, transpose_lhs_hint = false} : vector<512x512xf32>, vector<1x512xf32>, vector<512x1xf32> -> vector<512x1xf32>
    %swap3A_87 = arith.constant 0 : index
    %swap3A_88 = arith.constant 0 : index
    %swap3A_89 = vector.load %arg12[%swap3A_87, %swap3A_88] : memref<512x1xf32, #tpu.memory_space<vmem>>, vector<512x1xf32>
    tpu.vector_store %arg12[%swap3A_87, %swap3A_88], %dot_general3A_86 {strides = array<i32>} : memref<512x1xf32, #tpu.memory_space<vmem>>, vector<512x1xf32>,
    return
  }
  func.func @transform_0(%arg0: i32, %arg1: memref<32xi32, #tpu.memory_space<smem>>) -> (i32, i32) {
    %c0_i32 = arith.constant 0 : i32
    %c0_i32_0 = arith.constant 0 : i32
    return %arg0, %c0_i32 : i32, i32
  }
  func.func @transform_1(%arg0: i32, %arg1: memref<32xi32, #tpu.memory_space<smem>>) -> (i32, i32, i32) {
    %get3A = arith.index_cast %arg0 : i32 to index
    %get3A_0 = memref.load %arg1[%get3A] : memref<32xi32, #tpu.memory_space<smem>>
    %c0_i32 = arith.constant 0 : i32
    %c0_i32_1 = arith.constant 0 : i32
    %c0_i32_2 = arith.constant 0 : i32
    return %get3A_0, %c0_i32, %c0_i32_1 : i32, i32, i32
  }
  func.func @transform_2(%arg0: i32, %arg1: memref<32xi32, #tpu.memory_space<smem>>) -> (i32, i32, i32) {
    %get3A = arith.index_cast %arg0 : i32 to index
    %get3A_0 = memref.load %arg1[%get3A] : memref<32xi32, #tpu.memory_space<smem>>
    %c0_i32 = arith.constant 0 : i32
    %c0_i32_1 = arith.constant 0 : i32
    %c0_i32_2 = arith.constant 0 : i32
    return %get3A_0, %c0_i32, %c0_i32_1 : i32, i32, i32
  }
  func.func @transform_3(%arg0: i32, %arg1: memref<32xi32, #tpu.memory_space<smem>>) -> (i32, i32, i32) {
    %get3A = arith.index_cast %arg0 : i32 to index
    %get3A_0 = memref.load %arg1[%get3A] : memref<32xi32, #tpu.memory_space<smem>>
    %c0_i32 = arith.constant 0 : i32
    %c0_i32_1 = arith.constant 0 : i32
    %c0_i32_2 = arith.constant 0 : i32
    return %get3A_0, %c0_i32, %c0_i32_1 : i32, i32, i32
  }
  func.func @transform_4(%arg0: i32, %arg1: memref<32xi32, #tpu.memory_space<smem>>) -> (i32, i32, i32) {
    %get3A = arith.index_cast %arg0 : i32 to index
    %get3A_0 = memref.load %arg1[%get3A] : memref<32xi32, #tpu.memory_space<smem>>
    %c0_i32 = arith.constant 0 : i32
    %c0_i32_1 = arith.constant 0 : i32
    %c0_i32_2 = arith.constant 0 : i32
    return %get3A_0, %c0_i32, %c0_i32_1 : i32, i32, i32
  }
  func.func @transform_5(%arg0: i32, %arg1: memref<32xi32, #tpu.memory_space<smem>>) -> (i32, i32, i32) {
    %get3A = arith.index_cast %arg0 : i32 to index
    %get3A_0 = memref.load %arg1[%get3A] : memref<32xi32, #tpu.memory_space<smem>>
    %c0_i32 = arith.constant 0 : i32
    %c0_i32_1 = arith.constant 0 : i32
    %c0_i32_2 = arith.constant 0 : i32
    return %get3A_0, %c0_i32, %c0_i32_1 : i32, i32, i32
  }
  func.func @transform_6(%arg0: i32, %arg1: memref<32xi32, #tpu.memory_space<smem>>) -> (i32, i32, i32) {
    %get3A = arith.index_cast %arg0 : i32 to index
    %get3A_0 = memref.load %arg1[%get3A] : memref<32xi32, #tpu.memory_space<smem>>
    %c0_i32 = arith.constant 0 : i32
    %c0_i32_1 = arith.constant 0 : i32
    %c0_i32_2 = arith.constant 0 : i32
    return %get3A_0, %c0_i32, %c0_i32_1 : i32, i32, i32
  }
  func.func @transform_7(%arg0: i32, %arg1: memref<32xi32, #tpu.memory_space<smem>>) -> (i32, i32) {
    %c0_i32 = arith.constant 0 : i32
    %c0_i32_0 = arith.constant 0 : i32
    %c0_i32_1 = arith.constant 0 : i32
    return %c0_i32, %c0_i32_0 : i32, i32
  }
  func.func @transform_8(%arg0: i32, %arg1: memref<32xi32, #tpu.memory_space<smem>>) -> (i32, i32) {
    %c0_i32 = arith.constant 0 : i32
    %c0_i32_0 = arith.constant 0 : i32
    %c0_i32_1 = arith.constant 0 : i32
    return %c0_i32, %c0_i32_0 : i32, i32
  }
  func.func @transform_9(%arg0: i32, %arg1: memref<32xi32, #tpu.memory_space<smem>>) -> (i32, i32) {
    %c0_i32 = arith.constant 0 : i32
    %c0_i32_0 = arith.constant 0 : i32
    return %arg0, %c0_i32 : i32, i32
  }
  func.func @transform_10(%arg0: i32, %arg1: memref<32xi32, #tpu.memory_space<smem>>) -> (i32, i32) {
    %c0_i32 = arith.constant 0 : i32
    %c0_i32_0 = arith.constant 0 : i32
    return %arg0, %c0_i32 : i32, i32
  }
}

</mosaic_0001>

<sc_bundles>
// kernel: kernel.6.cloned.1.call-start
scs
__scs_entry_jumppad:
0x0: {  	(pc) =	sbr.rel $0x88, $3  }
0x1: {  	(tag) =	ssettag $0x0;
	lr =	simm.s32 $0x1  }
0x2: {  	[smem:$0x3F90] =	sst lr;
	_ =	strace $0xD0000000  }
0x3: {  	_ = 	snop  }
0x4: {  	_ = 	snop  }
0x5: {  	_ = 	snop  }
0x6: {  	_ = 	snop  }
0x7: {  	_ = 	snop  }
__scs_overlays_trampoline_lowered:
0x8: {  	[smem:$0x3F9F] =	sst s0  }
0x9: {  	[smem:$0x3FA0] =	sst s1  }
0xa: {  	[smem:$0x3FA1] =	sst s2  }
0xb: {  	[smem:$0x3FA2] =	sst s3  }
0xc: {  	[smem:$0x3FA3] =	sst s4  }
0xd: {  	[smem:$0x3FA4] =	sst s5  }
0xe: {  	[smem:$0x3FA5] =	sst s6  }
0xf: {  	[smem:$0x3FA6] =	sst s7  }
0x10: {  	[smem:$0x3FA7] =	sst s8  }
0x11: {  	[smem:$0x3FA8] =	sst s9;
	s0 =	simm.s32 @!p0 $0x0  }
0x12: {  	s1 =	sld [smem:$0x3F8E];
	s0 =	simm.s32 @p0 $0x1  }
0x13: {  	[smem:$0x3FA9] =	sst s0;
	s0 =	simm.s32 @!p1 $0x0  }
0x14: {  	s2 =	sld [smem:$0x3F8D];
	s0 =	simm.s32 @p1 $0x1  }
0x15: {  	[smem:$0x3FAA] =	sst s0;
	s0 =	simm.s32 @!p2 $0x0  }
0x16: {  	s3 =	sld [smem:$0x3FDB];
	s0 =	simm.s32 @p2 $0x1  }
0x17: {  	s4 =	simm.s32 $0x1BF5;
	[smem:$0x3FAC] =	sst s0  }
0x18: {  	s0 =	sld [smem:$0x3F8F];
	_ =	swait.ge [sflag:s4], $0x0  }
0x19: {  	s7 =	sld [smem:$0x3F90]  }
0x1a: {  	s8 =	sadd.s32 $0xFFFFE003, lr  }
0x1b: {  	s9 =	sadd.s32 $0xFFFFFEF7, lr;
	s5 =	simm.s32 $0xFFFFFFFF;
	p2 =	slt.u32 s8, $0xFFFFF086  }
0x1c: {  	p1 =	slt.u32 s9, $0xF7A;
	s5 =	simm.s32 @!p2 $0x0  }
0x1d: {  	s5 =	simm.s32 @p1 $0x1;
	p0 =	seq.s32 s7, s2  }
0x1e: {  	s7 =	smul.u32 @!p0 $0xF7A, s2;
	p2 =	seq.s32 @!p0 s5, $0x0  }
0x1f: {  	s9 =	smul.u32 $0xF7A, s1;
	s8 =	simm.s32 @!p0 $0x1BF5;
	p2 =	por !p2, p0  }
0x20: {  	[sflag:s8] =	ssyncset.s32 @!p0 $0xFFFFF086;
	s6 =	sadd.s32 @!p0 s3, s7;
	s7 =	simm.s32 @!p0 $0x108  }
0x21: {  	s3 =	sadd.s32 s3, s9;
	s6 =	sadd.s32 @!p0 $0x88, s6;
	s7 =	simm.s32 @p2 $0x1082  }
0x22: {  	[simem:s7], [sflag:s8] =	dma.local @!p0 [hbm:s6], $0xF7A  }
0x23: {  	s9 =	sor.u32 $0xD0000000, s2;
	s6 =	simm.s32 $0x108;
	_ =	swait.ge @!p0 [sflag:s8], $0x0  }
0x24: {  	s3 =	sadd.s32 $0x88, s3;
	s6 =	simm.s32 @!p1 $0x1082;
	[sflag:s4] =	ssyncset.s32 $0xFFFFF086  }
0x25: {  	[simem:s6], [sflag:s4] =	dma.local [hbm:s3], $0xF7A  }
0x26: {  	[smem:$0x3F90] =	sst s1;
	(tag) =	ssettag s2;
	_ =	strace s9  }
0x27: {  	s1 =	sld [smem:$0x3FA0]  }
0x28: {  	s2 =	sld [smem:$0x3FA1]  }
0x29: {  	s4 =	sld [smem:$0x3FA3]  }
0x2a: {  	p0 =	seq.s32 s5, $0x0;
	s5 =	sld [smem:$0x3FA4]  }
0x2b: {  	s6 =	sld [smem:$0x3FA5]  }
0x2c: {  	s7 =	sld [smem:$0x3FA6]  }
0x2d: {  	s3 =	simm.s32 $0x108;
	s8 =	sld [smem:$0x3FA7]  }
0x2e: {  	s3 =	simm.s32 @!p0 $0x1082;
	s9 =	sld [smem:$0x3FA8]  }
0x2f: {  	lr =	sadd.s32 s0, s3;
	s0 =	sld [smem:$0x3F9F]  }
0x30: {  	s3 =	sld [smem:$0x3FA2]  }
0x31: {  	[smem:$0x3FAB] =	sst s10  }
0x32: {  	s10 =	sld [smem:$0x3FA9];
	_ =	sdelay $0x3  }
0x33: {  	p0 =	seq.s32 s10, $0x1;
	s10 =	sld [smem:$0x3FAB];
	_ =	sdelay $0x3  }
0x34: {  	[smem:$0x3FAB] =	sst s10  }
0x35: {  	s10 =	sld [smem:$0x3FAA];
	_ =	sdelay $0x3  }
0x36: {  	p1 =	seq.s32 s10, $0x1;
	s10 =	sld [smem:$0x3FAB];
	_ =	sdelay $0x3  }
0x37: {  	[smem:$0x3FAB] =	sst s10  }
0x38: {  	s10 =	sld [smem:$0x3FAC]  }
0x39: {  	_ = 	snop;
	(pc) =	sbr.ind lr, $3  }
0x3a: {  	_ = 	snop  }
0x3b: {  	_ = 	snop  }
0x3c: {  	p2 =	seq.s32 s10, $0x1;
	s10 =	sld [smem:$0x3FAB]  }
0x3d: {  	_ =	shalt  }
0x3e: {  	_ =	shalt  }
0x3f: {  	_ =	shalt  }
0x40: {  	_ =	shalt  }
0x41: {  	_ =	shalt  }
0x42: {  	_ =	shalt  }
0x43: {  	_ =	shalt  }
0x44: {  	_ =	shalt  }
0x45: {  	_ =	shalt  }
0x46: {  	_ =	shalt  }
0x47: {  	_ =	shalt  }
0x48: {  	_ =	shalt  }
0x49: {  	_ =	shalt  }
0x4a: {  	_ =	shalt  }
0x4b: {  	_ =	shalt  }
0x4c: {  	_ =	shalt  }
0x4d: {  	_ =	shalt  }
0x4e: {  	_ =	shalt  }
0x4f: {  	_ =	shalt  }
0x50: {  	_ =	shalt  }
0x51: {  	_ =	shalt  }
0x52: {  	_ =	shalt  }
0x53: {  	_ =	shalt  }
0x54: {  	_ =	shalt  }
0x55: {  	_ =	shalt  }
0x56: {  	_ =	shalt  }
0x57: {  	_ =	shalt  }
0x58: {  	_ =	shalt  }
0x59: {  	_ =	shalt  }
0x5a: {  	_ =	shalt  }
0x5b: {  	_ =	shalt  }
0x5c: {  	_ =	shalt  }
0x5d: {  	_ =	shalt  }
0x5e: {  	_ =	shalt  }
0x5f: {  	_ =	shalt  }
0x60: {  	_ =	shalt  }
0x61: {  	_ =	shalt  }
0x62: {  	_ =	shalt  }
0x63: {  	_ =	shalt  }
0x64: {  	_ =	shalt  }
0x65: {  	_ =	shalt  }
0x66: {  	_ =	shalt  }
0x67: {  	_ =	shalt  }
0x68: {  	_ =	shalt  }
0x69: {  	_ =	shalt  }
0x6a: {  	_ =	shalt  }
0x6b: {  	_ =	shalt  }
0x6c: {  	_ =	shalt  }
0x6d: {  	_ =	shalt  }
0x6e: {  	_ =	shalt  }
0x6f: {  	_ =	shalt  }
0x70: {  	_ =	shalt  }
0x71: {  	_ =	shalt  }
0x72: {  	_ =	shalt  }
0x73: {  	_ =	shalt  }
0x74: {  	_ =	shalt  }
0x75: {  	_ =	shalt  }
0x76: {  	_ =	shalt  }
0x77: {  	_ =	shalt  }
0x78: {  	_ =	shalt  }
0x79: {  	_ =	shalt  }
0x7a: {  	_ =	shalt  }
0x7b: {  	_ =	shalt  }
0x7c: {  	_ =	shalt  }
0x7d: {  	_ =	shalt  }
0x7e: {  	_ =	shalt  }
0x7f: {  	_ =	shalt  }
0x80: {  	_ =	shalt  }
0x81: {  	_ =	shalt  }
0x82: {  	_ =	shalt  }
0x83: {  	_ =	shalt  }
0x84: {  	_ =	shalt  }
0x85: {  	_ =	shalt  }
0x86: {  	_ =	shalt  }
0x87: {  	_ =	shalt  }
.Lfunc_end0:
.L_simem_size_0:
called_computation_lowered:
.L_overlay_start_0:
0x88: {  	s2 =	sld [smem:$0x3FD9]  }
0x89: {  	s3 =	sld [smem:$0x3FFE];
	_ =	sdelay $0x1  }
0x8a: {  	s1 =	srdreg.scid  }
0x8b: {  	s0 =	sand.u32 $0x1, s1  }
0x8c: {  	s16 =	sshll.u32 s0, $0xA;
	s2 =	sadd.s32 s3, s2  }
0x8d: {  	s2 =	sadd.s32 s2, s16  }
0x8e: {  	[smem:$0x3FB7] =	sst s2  }
0x8f: {  	_ = 	snop  }
0x90: {  	(tm) =	ssettm $0x1  }
0x91: {  	s17 =	sld [smem:$0x3FFB];
	_ =	sdelay $0x3  }
0x92: {  	_ =	strace s17  }
0x93: {  	s2 =	sld [smem:$0x3FFC];
	_ =	sdelay $0x3  }
0x94: {  	_ =	strace s2  }
0x95: {  	s2 =	sld [smem:$0x3FFD];
	_ =	sdelay $0x3  }
0x96: {  	_ =	strace s2  }
0x97: {  	_ =	strace $0x8FFFFFFF  }
0x98: {  	s18 =	sld [smem:$0x3FDB];
	_ =	sdelay $0x1  }
0x99: {  	s19 =	simm.s32 $_scs_section_size  }
0x9a: {  	s4 =	simm.s32 $_size__tile_overlayer_lowered;
	s5 =	simm.s32 $_tile_overlayer_lowered  }
0x9b: {  	s22 =	simm.s32 $0x1BFF;
	s21 =	sshll.u32 s5, $0x1;
	s2 =	sadd.s32 s19, s18  }
0x9c: {  	s6 =	simm.s32 $0x0;
	s20 =	sshll.u32 s4, $0x1;
	s4 =	sadd.s32 s21, s2  }
0x9d: {  	[timem:s6], [sflag:s22] =	dma.local [hbm:s4], s20  }
0x9e: {  	_ =	swait.ge [sflag:s22], s20  }
0x9f: {  	s3 =	ssub.s32 $0x0, s20;
	[sflag:s22] =	ssyncset.done $0x0  }
0xa0: {  	[sflag:s22] =	ssyncadd.s32 s3;
	_ =	sdelay $0x1  }
0xa1: {  	s23 =	simm.s32 $0x1B8B  }
0xa2: {  	_ =	swait.ge [sflag:s23], $0x1  }
0xa3: {  	[sflag:s23] =	ssyncset.done $0x0  }
0xa4: {  	s25 =	simm.s32 $0x1B8E;
	s24 =	sld [smem:$0x3FFE];
	[sflag:s23] =	ssyncadd.s32 $0xFFFFFFFF  }
0xa5: {  	s26 =	simm.s32 $execute0_lowered;
	[smem:$0x3FD2] =	sst s25  }
0xa6: {  	s4 =	sshll.u32 s26, $0x1;
	_ =	strace $0x80000046;
	[dreg:$0x1] =	wrdreg $0xFFFFFFFF  }
0xa7: {  	s28 =	simm.s32 $_size_execute0_lowered;
	s2 =	sadd.s32 s2, s4;
	[dreg:$0x0] =	wrdreg $0x0  }
0xa8: {  	s4 =	sshll.u32 s28, $0x1;
	[dreg:$0x2] =	wrdreg s2  }
0xa9: {  	[dreg:$0x3] =	wrdreg s4  }
0xaa: {  	[dreg:$0x4] =	wrdreg $0xC0  }
0xab: {  	_ =	task [dreg:s6], $0x5FFFF  }
0xac: {  	[dreg:$0x1] =	wrdreg $0xFFFFFFFF  }
0xad: {  	[dreg:$0x0] =	wrdreg $0x60  }
0xae: {  	[dreg:$0x2] =	wrdreg s24  }
0xaf: {  	[dreg:$0x3] =	wrdreg $0x9  }
0xb0: {  	_ =	task.clear_ibuf [dreg:s6], $0x4FFFF;
	_ =	strace $0x90000046  }
0xb1: {  	s29 =	simm.s32 $0x9;
	_ =	strace $0x80000048  }
0xb2: {  	_ =	swait.ge [sflag:s29], $0x1  }
0xb3: {  	[sflag:s29] =	ssyncadd.s32 $0xFFFFFFFF  }
0xb4: {  	_ =	strace $0x90000048  }
0xb5: {  	_ =	sfence  }
0xb6: {  	s30 =	sld [smem:$0x0];
	_ =	sdelay $0x2  }
0xb7: {  	s31 =	sshll.u32 s1, $0xD;
	s1 =	sshrl.u32 s1, $0x2  }
0xb8: {  	s3 =	sand.u32 $0x4000, s31;
	s1 =	sadd.s32 s1, s30  }
0xb9: {  	s0 =	sor.u32 s3, s0;
	s1 =	sshll.u32 s1, $0x11  }
0xba: {  	s0 =	sor.u32 s1, s0  }
0xbb: {  	s0 =	sadd.s32 $0x8F2B, s0  }
0xbc: {  	[sflag:s0] =	ssyncadd.remote.s32 $0x1  }
0xbd: {  	_ =	sfence.sel $0xFFFF  }
0xbe: {  	[dreg:$0x0] =	wrdreg $0xFFFFFFFF;
	(pc) =	sbr.abs _section_cstart, $3  }
0xbf: {  	[dreg:$0x1] =	wrdreg $0xFFFFFFFF  }
0xc0: {  	_ =	task.clear_ibuf [dreg:s6], $0x2FFFF;
	_ =	strace $0x9FFFFFFF  }
0xc1: {  	(tm) =	ssettm $0x7FFFFFFF  }
tec
execute0_lowered:
.L_overlay_start_1:
0x0: {  	(tag) =	ssettag $0x1  }
0x1: {  	s7 =	rddreg [dreg:$0x0];
	s2 =	srdreg.scid  }
0x2: {  	s0 =	rddreg [dreg:$0x1];
	s1 =	stileid.u32  }
0x3: {  	s10 =	simm.s32 $0x8000;
	s11 =	simm.s32 $0x8080;
	s12 =	simm.s32 $0x800  }
0x4: {  	s13 =	simm.s32 $0x1000;
	s14 =	simm.s32 $0x1800;
	s15 =	simm.s32 $0x2000  }
0x5: {  	s16 =	simm.s32 $0x2800;
	s17 =	simm.s32 $0x3000;
	s18 =	simm.s32 $0x3800  }
0x6: {  	s19 =	simm.s32 $0x4000;
	s20 =	simm.s32 $0x4800;
	s21 =	simm.s32 $0x5000  }
0x7: {  	s22 =	simm.s32 $0x5800;
	s23 =	simm.s32 $0x6000;
	s24 =	simm.s32 $0x6800  }
0x8: {  	s25 =	simm.s32 $0x7000;
	s26 =	simm.s32 $0x7800;
	s28 =	simm.s32 $0x1  }
0x9: {  	s3 =	sand.u32 $0x1, s2;
	s2 =	simm.s32 $0x0;
	s4 =	sshll.u32 s1, $0x7  }
0xa: {  	s5 =	sshll.u32 s3, $0x6;
	[smem:$0x7FF] =	sst s2;
	s6 =	ssub.s32 $0x2, s3  }
0xb: {  	s3 =	sadd.s32 $0x20C00, s7;
	s4 =	sor.u32 s5, s4;
	_ =	strace $0x80000047  }
0xc: {  	s31 =	sshrl.u32 s6, $0x1;
	s5 =	sshll.u32 s4, $0x6;
	s30 =	sshrl.u32 s4, $0x3  }
0xd: {  	v2 =	vlaneseq.u32;
	s9 =	ssub.s32 s6, s31;
	s5 =	sadd.s32 s5, s7;
	s8 =	sadd.s32 s30, s7  }
0xe: {  	vm0 =	vmmov $0xffff;
	v1 =	vshrl.u32 v2, $0x3;
	s7 =	sadd.s32 $0x20D00, s7;
	s4 =	sadd.s32 $0x800, s5;
	s5 =	sadd.s32 $0x20800, s8  }
0xf: {  	v0 =	vand.u32 $0x7, v2;
	v2 =	vor.u32 $0x8, v2;
	v1 =	vmul.u32 $0x8, v1;
	s6 =	sadd.s32 $0x20A00, s8;
	s8 =	smax.u32 s9, $0x1;
	s9 =	simm.s32 $0x2  }
.LBB2_1:
0x10: {  	[tilespmem:s2], [sflag:$0x2] =	stream.linear.gather [hbm4b:s4+s2], $0x8000, $0x38;
	[tilespmem:$0x8100] =	vst v63  }
0x11: {  	_ =	swait.ge [sflag:s9], $0x8000  }
0x12: {  	[sflag:s9] =	ssyncset.done $0x0  }
0x13: {  	[sflag:s9] =	ssyncadd.s32 $0xFFFF8000  }
0x14: {  	[tilespmem:s10], [sflag:$0x2] =	stream.linear.gather [hbm4b:s5+s2], $0x40, $0x38;
	[tilespmem:$0x8100] =	vst v63  }
0x15: {  	_ =	swait.ge [sflag:s9], $0x40  }
0x16: {  	[sflag:s9] =	ssyncset.done $0x0  }
0x17: {  	[sflag:s9] =	ssyncadd.s32 $0xFFFFFFC0  }
0x18: {  	[tilespmem:s11], [sflag:$0x2] =	stream.linear.gather [hbm4b:s6+s2], $0x40, $0x38;
	[tilespmem:$0x8100] =	vst v63  }
0x19: {  	_ =	swait.ge [sflag:s9], $0x40  }
0x1a: {  	[sflag:s9] =	ssyncset.done $0x0  }
0x1b: {  	[sflag:s9] =	ssyncadd.s32 $0xFFFFFFC0  }
0x1c: {  	v3 =	vld [tilespmem:$0x8000];
	_ =	sdelay $0x4  }
0x1d: {  	v4 =	vshll.u32 v3, $0x2  }
0x1e: {  	v3 =	vand.u32 $0x7, v3;
	v4 =	vand.u32 $0xFFFFFFE0, v4  }
0x1f: {  	v3 =	vor.u32 v3, v4  }
0x20: {  	v4 =	vperm.xlane v3, v0;
	_ =	sdelay $0x1  }
0x21: {  	v4 =	vadd.s32 v1, v4;
	_ =	sdelay $0x1  }
0x22: {  	v3 =	vperm.xlane v3, v2;
	_ =	sdelay $0x1  }
0x23: {  	v3 =	vadd.s32 v1, v3  }
0x24: {  	[hbm4b:s3+s2] =	stream.indirect_vreg.scatter [tilespmem:s2], [sflag:$0x1], $0x80, v4, vm0, $0xb8;
	[tilespmem:$0x8100] =	vst v63  }
0x25: {  	_ = 	snop  }
0x26: {  	[hbm4b:s7+s2] =	stream.indirect_vreg.scatter [tilespmem:s12], [sflag:$0x1], $0x80, v4, vm0, $0xb8;
	[tilespmem:$0x8100] =	vst v63  }
0x27: {  	_ = 	snop  }
0x28: {  	[hbm4b:s3+s2] =	stream.indirect_vreg.scatter [tilespmem:s13], [sflag:$0x1], $0x80, v3, vm0, $0xb8;
	[tilespmem:$0x8100] =	vst v63  }
0x29: {  	_ = 	snop  }
0x2a: {  	[hbm4b:s7+s2] =	stream.indirect_vreg.scatter [tilespmem:s14], [sflag:$0x1], $0x80, v3, vm0, $0xb8;
	[tilespmem:$0x8100] =	vst v63  }
0x2b: {  	v3 =	vld [tilespmem:$0x8010];
	_ =	sdelay $0x4  }
0x2c: {  	v57 =	vshll.u32 v3, $0x2  }
0x2d: {  	v3 =	vand.u32 $0x7, v3;
	v4 =	vand.u32 $0xFFFFFFE0, v57  }
0x2e: {  	v3 =	vor.u32 v3, v4  }
0x2f: {  	v4 =	vperm.xlane v3, v0;
	_ =	sdelay $0x1  }
0x30: {  	v4 =	vadd.s32 v1, v4;
	_ =	sdelay $0x1  }
0x31: {  	v3 =	vperm.xlane v3, v2;
	_ =	sdelay $0x1  }
0x32: {  	v3 =	vadd.s32 v1, v3  }
0x33: {  	[hbm4b:s3+s2] =	stream.indirect_vreg.scatter [tilespmem:s15], [sflag:$0x1], $0x80, v4, vm0, $0xb8;
	[tilespmem:$0x8100] =	vst v63  }
0x34: {  	_ = 	snop  }
0x35: {  	[hbm4b:s7+s2] =	stream.indirect_vreg.scatter [tilespmem:s16], [sflag:$0x1], $0x80, v4, vm0, $0xb8;
	[tilespmem:$0x8100] =	vst v63  }
0x36: {  	_ = 	snop  }
0x37: {  	[hbm4b:s3+s2] =	stream.indirect_vreg.scatter [tilespmem:s17], [sflag:$0x1], $0x80, v3, vm0, $0xb8;
	[tilespmem:$0x8100] =	vst v63  }
0x38: {  	_ = 	snop  }
0x39: {  	[hbm4b:s7+s2] =	stream.indirect_vreg.scatter [tilespmem:s18], [sflag:$0x1], $0x80, v3, vm0, $0xb8;
	[tilespmem:$0x8100] =	vst v63  }
0x3a: {  	v3 =	vld [tilespmem:$0x8020];
	_ =	sdelay $0x4  }
0x3b: {  	v58 =	vshll.u32 v3, $0x2  }
0x3c: {  	v3 =	vand.u32 $0x7, v3;
	v4 =	vand.u32 $0xFFFFFFE0, v58  }
0x3d: {  	v3 =	vor.u32 v3, v4  }
0x3e: {  	v4 =	vperm.xlane v3, v0;
	_ =	sdelay $0x1  }
0x3f: {  	v4 =	vadd.s32 v1, v4;
	_ =	sdelay $0x1  }
0x40: {  	v3 =	vperm.xlane v3, v2;
	_ =	sdelay $0x1  }
0x41: {  	v3 =	vadd.s32 v1, v3  }
0x42: {  	[hbm4b:s3+s2] =	stream.indirect_vreg.scatter [tilespmem:s19], [sflag:$0x1], $0x80, v4, vm0, $0xb8;
	[tilespmem:$0x8100] =	vst v63  }
0x43: {  	_ = 	snop  }
0x44: {  	[hbm4b:s7+s2] =	stream.indirect_vreg.scatter [tilespmem:s20], [sflag:$0x1], $0x80, v4, vm0, $0xb8;
	[tilespmem:$0x8100] =	vst v63  }
0x45: {  	_ = 	snop  }
0x46: {  	[hbm4b:s3+s2] =	stream.indirect_vreg.scatter [tilespmem:s21], [sflag:$0x1], $0x80, v3, vm0, $0xb8;
	[tilespmem:$0x8100] =	vst v63  }
0x47: {  	_ = 	snop  }
0x48: {  	[hbm4b:s7+s2] =	stream.indirect_vreg.scatter [tilespmem:s22], [sflag:$0x1], $0x80, v3, vm0, $0xb8;
	[tilespmem:$0x8100] =	vst v63  }
0x49: {  	v3 =	vld [tilespmem:$0x8030];
	_ =	sdelay $0x4  }
0x4a: {  	v59 =	vshll.u32 v3, $0x2  }
0x4b: {  	v3 =	vand.u32 $0x7, v3;
	v4 =	vand.u32 $0xFFFFFFE0, v59  }
0x4c: {  	v3 =	vor.u32 v3, v4  }
0x4d: {  	v4 =	vperm.xlane v3, v0;
	_ =	sdelay $0x1  }
0x4e: {  	v4 =	vadd.s32 v1, v4;
	_ =	sdelay $0x1  }
0x4f: {  	v3 =	vperm.xlane v3, v2;
	_ =	sdelay $0x1  }
0x50: {  	v3 =	vadd.s32 v1, v3  }
0x51: {  	[hbm4b:s3+s2] =	stream.indirect_vreg.scatter [tilespmem:s23], [sflag:$0x1], $0x80, v4, vm0, $0xb8;
	[tilespmem:$0x8100] =	vst v63  }
0x52: {  	_ = 	snop  }
0x53: {  	[hbm4b:s7+s2] =	stream.indirect_vreg.scatter [tilespmem:s24], [sflag:$0x1], $0x80, v4, vm0, $0xb8;
	[tilespmem:$0x8100] =	vst v63  }
0x54: {  	_ = 	snop  }
0x55: {  	[hbm4b:s3+s2] =	stream.indirect_vreg.scatter [tilespmem:s25], [sflag:$0x1], $0x80, v3, vm0, $0xb8;
	[tilespmem:$0x8100] =	vst v63  }
0x56: {  	_ = 	snop  }
0x57: {  	[hbm4b:s7+s2] =	stream.indirect_vreg.scatter [tilespmem:s26], [sflag:$0x1], $0x80, v3, vm0, $0xb8;
	[tilespmem:$0x8100] =	vst v63  }
0x58: {  	v3 =	vld [tilespmem:$0x8080];
	_ =	sdelay $0x4  }
0x59: {  	v60 =	vshll.u32 v3, $0x2  }
0x5a: {  	v3 =	vand.u32 $0x7, v3;
	v4 =	vand.u32 $0xFFFFFFE0, v60  }
0x5b: {  	v3 =	vor.u32 v3, v4  }
0x5c: {  	v4 =	vperm.xlane v3, v0;
	_ =	sdelay $0x1  }
0x5d: {  	v4 =	vadd.s32 v1, v4;
	_ =	sdelay $0x1  }
0x5e: {  	v3 =	vperm.xlane v3, v2;
	_ =	sdelay $0x1  }
0x5f: {  	v3 =	vadd.s32 v1, v3  }
0x60: {  	[hbm4b:s3+s2] =	stream.indirect_vreg.scatter [tilespmem:s2], [sflag:$0x1], $0x80, v4, vm0, $0xb8;
	[tilespmem:$0x8100] =	vst v63  }
0x61: {  	_ = 	snop  }
0x62: {  	[hbm4b:s7+s2] =	stream.indirect_vreg.scatter [tilespmem:s12], [sflag:$0x1], $0x80, v4, vm0, $0xb8;
	[tilespmem:$0x8100] =	vst v63  }
0x63: {  	_ = 	snop  }
0x64: {  	[hbm4b:s3+s2] =	stream.indirect_vreg.scatter [tilespmem:s13], [sflag:$0x1], $0x80, v3, vm0, $0xb8;
	[tilespmem:$0x8100] =	vst v63  }
0x65: {  	_ = 	snop  }
0x66: {  	[hbm4b:s7+s2] =	stream.indirect_vreg.scatter [tilespmem:s14], [sflag:$0x1], $0x80, v3, vm0, $0xb8;
	[tilespmem:$0x8100] =	vst v63  }
0x67: {  	v3 =	vld [tilespmem:$0x8090];
	_ =	sdelay $0x4  }
0x68: {  	v61 =	vshll.u32 v3, $0x2  }
0x69: {  	v3 =	vand.u32 $0x7, v3;
	v4 =	vand.u32 $0xFFFFFFE0, v61  }
0x6a: {  	v3 =	vor.u32 v3, v4  }
0x6b: {  	v4 =	vperm.xlane v3, v0;
	_ =	sdelay $0x1  }
0x6c: {  	v4 =	vadd.s32 v1, v4;
	_ =	sdelay $0x1  }
0x6d: {  	v3 =	vperm.xlane v3, v2;
	_ =	sdelay $0x1  }
0x6e: {  	v3 =	vadd.s32 v1, v3  }
0x6f: {  	[hbm4b:s3+s2] =	stream.indirect_vreg.scatter [tilespmem:s15], [sflag:$0x1], $0x80, v4, vm0, $0xb8;
	[tilespmem:$0x8100] =	vst v63  }
0x70: {  	_ = 	snop  }
0x71: {  	[hbm4b:s7+s2] =	stream.indirect_vreg.scatter [tilespmem:s16], [sflag:$0x1], $0x80, v4, vm0, $0xb8;
	[tilespmem:$0x8100] =	vst v63  }
0x72: {  	_ = 	snop  }
0x73: {  	[hbm4b:s3+s2] =	stream.indirect_vreg.scatter [tilespmem:s17], [sflag:$0x1], $0x80, v3, vm0, $0xb8;
	[tilespmem:$0x8100] =	vst v63  }
0x74: {  	_ = 	snop  }
0x75: {  	[hbm4b:s7+s2] =	stream.indirect_vreg.scatter [tilespmem:s18], [sflag:$0x1], $0x80, v3, vm0, $0xb8;
	[tilespmem:$0x8100] =	vst v63  }
0x76: {  	v3 =	vld [tilespmem:$0x80A0];
	_ =	sdelay $0x4  }
0x77: {  	v62 =	vshll.u32 v3, $0x2  }
0x78: {  	v3 =	vand.u32 $0x7, v3;
	v4 =	vand.u32 $0xFFFFFFE0, v62  }
0x79: {  	v3 =	vor.u32 v3, v4  }
0x7a: {  	v4 =	vperm.xlane v3, v0;
	_ =	sdelay $0x1  }
0x7b: {  	v4 =	vadd.s32 v1, v4;
	_ =	sdelay $0x1  }
0x7c: {  	v3 =	vperm.xlane v3, v2;
	_ =	sdelay $0x1  }
0x7d: {  	v3 =	vadd.s32 v1, v3  }
0x7e: {  	[hbm4b:s3+s2] =	stream.indirect_vreg.scatter [tilespmem:s19], [sflag:$0x1], $0x80, v4, vm0, $0xb8;
	[tilespmem:$0x8100] =	vst v63  }
0x7f: {  	_ = 	snop  }
0x80: {  	[hbm4b:s7+s2] =	stream.indirect_vreg.scatter [tilespmem:s20], [sflag:$0x1], $0x80, v4, vm0, $0xb8;
	[tilespmem:$0x8100] =	vst v63  }
0x81: {  	_ = 	snop  }
0x82: {  	[hbm4b:s3+s2] =	stream.indirect_vreg.scatter [tilespmem:s21], [sflag:$0x1], $0x80, v3, vm0, $0xb8;
	[tilespmem:$0x8100] =	vst v63  }
0x83: {  	_ = 	snop  }
0x84: {  	[hbm4b:s7+s2] =	stream.indirect_vreg.scatter [tilespmem:s22], [sflag:$0x1], $0x80, v3, vm0, $0xb8;
	[tilespmem:$0x8100] =	vst v63  }
0x85: {  	v3 =	vld [tilespmem:$0x80B0];
	_ =	sdelay $0x4  }
0x86: {  	v63 =	vshll.u32 v3, $0x2  }
0x87: {  	v3 =	vand.u32 $0x7, v3;
	v4 =	vand.u32 $0xFFFFFFE0, v63  }
0x88: {  	v3 =	vor.u32 v3, v4  }
0x89: {  	v4 =	vperm.xlane v3, v0;
	_ =	sdelay $0x1  }
0x8a: {  	v4 =	vadd.s32 v1, v4;
	_ =	sdelay $0x1  }
0x8b: {  	v3 =	vperm.xlane v3, v2;
	_ =	sdelay $0x1  }
0x8c: {  	v3 =	vadd.s32 v1, v3  }
0x8d: {  	[hbm4b:s3+s2] =	stream.indirect_vreg.scatter [tilespmem:s23], [sflag:$0x1], $0x80, v4, vm0, $0xb8;
	[tilespmem:$0x8100] =	vst v63  }
0x8e: {  	_ = 	snop  }
0x8f: {  	[hbm4b:s7+s2] =	stream.indirect_vreg.scatter [tilespmem:s24], [sflag:$0x1], $0x80, v4, vm0, $0xb8;
	[tilespmem:$0x8100] =	vst v63  }
0x90: {  	_ = 	snop  }
0x91: {  	[hbm4b:s3+s2] =	stream.indirect_vreg.scatter [tilespmem:s25], [sflag:$0x1], $0x80, v3, vm0, $0xb8;
	[tilespmem:$0x8100] =	vst v63  }
0x92: {  	_ = 	snop  }
0x93: {  	[hbm4b:s7+s2] =	stream.indirect_vreg.scatter [tilespmem:s26], [sflag:$0x1], $0x80, v3, vm0, $0xb8;
	[tilespmem:$0x8100] =	vst v63  }
0x94: {  	p0 =	sne.s32 s8, $0x1;
	_ =	swait.ge [sflag:s28], $0x8000  }
.Ltmp0:
0x95: {  	[sflag:s28] =	ssyncset.done $0x0;
	(pc) =	sbr.rel @p0 .LBB2_1-.Ltmp0, $4  }
0x96: {  	[sflag:s28] =	ssyncadd.s32 $0xFFFF8000  }
0x97: {  	_ =	swait.ge [sflag:s28], $0x8000  }
0x98: {  	[sflag:s28] =	ssyncset.done $0x0  }
0x99: {  	s8 =	sadd.s32 $0xFFFFFFFF, s8;
	[sflag:s28] =	ssyncadd.s32 $0xFFFF8000  }
0x9a: {  	_ =	sfence.sel $0x180000  }
0x9b: {  	[bflag:$0x0] =	sbarrier.arrive $0xFFFF  }
0x9c: {  	p0 =	sne.s32 s1, $0x0;
	_ =	strace $0x90000047  }
0x9d: {  	s0 =	sadd.s32 @!p0 $0x100000, s0;
	[bflag:$0x2] =	sbarrier.arrive $0xFFFF  }
0x9e: {  	[sflag:s0] =	ssyncadd.tile.s32 @!p0 $0x1;
	_ =	shalt  }
.Lfunc_end2:
_tile_overlayer_lowered:
.L_overlay_start_2:
0x9f: {  	(tag) =	ssettag $0x2  }
0xa0: {  	s0 =	rddreg [dreg:$0x0];
	s2 =	stileid.u32  }
0xa1: {  	s1 =	rddreg [dreg:$0x1];
	p0 =	sne.s32 s2, $0x0  }
0xa2: {  	s3 =	rddreg [dreg:$0x2];
	[bflag:$0x3] =	sbarrier.arrive $0xFFFF;
	s2 =	simm.s32 @!p0 $0x1C02  }
0xa3: {  	[timem:s3], [sflag:s2] =	dma.local @!p0 [hbm:s0], s1  }
0xa4: {  	s0 =	simm.s32 @!p0 $0x2  }
0xa5: {  	_ =	swait.ge @!p0 [sflag:s0], s1  }
0xa6: {  	s1 =	ssub.s32 @!p0 $0x0, s1;
	[sflag:s0] =	ssyncset.done @!p0 $0x0  }
0xa7: {  	[sflag:s0] =	ssyncadd.s32 @!p0 s1  }
0xa8: {  	[bflag:$0x3] =	sbarrier.arrive $0xFFFF  }
0xa9: {  	_ =	shalt  }

// kernel: kernel.9.cloned.1.call-start
scs
__scs_entry_jumppad:
0x0: {  	(pc) =	sbr.rel $0x88, $3  }
0x1: {  	(tag) =	ssettag $0x0;
	lr =	simm.s32 $0x1  }
0x2: {  	[smem:$0x3F90] =	sst lr;
	_ =	strace $0xD0000000  }
0x3: {  	_ = 	snop  }
0x4: {  	_ = 	snop  }
0x5: {  	_ = 	snop  }
0x6: {  	_ = 	snop  }
0x7: {  	_ = 	snop  }
__scs_overlays_trampoline_lowered:
0x8: {  	[smem:$0x3F9F] =	sst s0  }
0x9: {  	[smem:$0x3FA0] =	sst s1  }
0xa: {  	[smem:$0x3FA1] =	sst s2  }
0xb: {  	[smem:$0x3FA2] =	sst s3  }
0xc: {  	[smem:$0x3FA3] =	sst s4  }
0xd: {  	[smem:$0x3FA4] =	sst s5  }
0xe: {  	[smem:$0x3FA5] =	sst s6  }
0xf: {  	[smem:$0x3FA6] =	sst s7  }
0x10: {  	[smem:$0x3FA7] =	sst s8  }
0x11: {  	[smem:$0x3FA8] =	sst s9;
	s0 =	simm.s32 @!p0 $0x0  }
0x12: {  	s1 =	sld [smem:$0x3F8E];
	s0 =	simm.s32 @p0 $0x1  }
0x13: {  	[smem:$0x3FA9] =	sst s0;
	s0 =	simm.s32 @!p1 $0x0  }
0x14: {  	s2 =	sld [smem:$0x3F8D];
	s0 =	simm.s32 @p1 $0x1  }
0x15: {  	[smem:$0x3FAA] =	sst s0;
	s0 =	simm.s32 @!p2 $0x0  }
0x16: {  	s3 =	sld [smem:$0x3FDB];
	s0 =	simm.s32 @p2 $0x1  }
0x17: {  	s4 =	simm.s32 $0x1BF5;
	[smem:$0x3FAC] =	sst s0  }
0x18: {  	s0 =	sld [smem:$0x3F8F];
	_ =	swait.ge [sflag:s4], $0x0  }
0x19: {  	s7 =	sld [smem:$0x3F90]  }
0x1a: {  	s8 =	sadd.s32 $0xFFFFE003, lr  }
0x1b: {  	s9 =	sadd.s32 $0xFFFFFEF7, lr;
	s5 =	simm.s32 $0xFFFFFFFF;
	p2 =	slt.u32 s8, $0xFFFFF086  }
0x1c: {  	p1 =	slt.u32 s9, $0xF7A;
	s5 =	simm.s32 @!p2 $0x0  }
0x1d: {  	s5 =	simm.s32 @p1 $0x1;
	p0 =	seq.s32 s7, s2  }
0x1e: {  	s7 =	smul.u32 @!p0 $0xF7A, s2;
	p2 =	seq.s32 @!p0 s5, $0x0  }
0x1f: {  	s9 =	smul.u32 $0xF7A, s1;
	s8 =	simm.s32 @!p0 $0x1BF5;
	p2 =	por !p2, p0  }
0x20: {  	[sflag:s8] =	ssyncset.s32 @!p0 $0xFFFFF086;
	s6 =	sadd.s32 @!p0 s3, s7;
	s7 =	simm.s32 @!p0 $0x108  }
0x21: {  	s3 =	sadd.s32 s3, s9;
	s6 =	sadd.s32 @!p0 $0x88, s6;
	s7 =	simm.s32 @p2 $0x1082  }
0x22: {  	[simem:s7], [sflag:s8] =	dma.local @!p0 [hbm:s6], $0xF7A  }
0x23: {  	s9 =	sor.u32 $0xD0000000, s2;
	s6 =	simm.s32 $0x108;
	_ =	swait.ge @!p0 [sflag:s8], $0x0  }
0x24: {  	s3 =	sadd.s32 $0x88, s3;
	s6 =	simm.s32 @!p1 $0x1082;
	[sflag:s4] =	ssyncset.s32 $0xFFFFF086  }
0x25: {  	[simem:s6], [sflag:s4] =	dma.local [hbm:s3], $0xF7A  }
0x26: {  	[smem:$0x3F90] =	sst s1;
	(tag) =	ssettag s2;
	_ =	strace s9  }
0x27: {  	s1 =	sld [smem:$0x3FA0]  }
0x28: {  	s2 =	sld [smem:$0x3FA1]  }
0x29: {  	s4 =	sld [smem:$0x3FA3]  }
0x2a: {  	p0 =	seq.s32 s5, $0x0;
	s5 =	sld [smem:$0x3FA4]  }
0x2b: {  	s6 =	sld [smem:$0x3FA5]  }
0x2c: {  	s7 =	sld [smem:$0x3FA6]  }
0x2d: {  	s3 =	simm.s32 $0x108;
	s8 =	sld [smem:$0x3FA7]  }
0x2e: {  	s3 =	simm.s32 @!p0 $0x1082;
	s9 =	sld [smem:$0x3FA8]  }
0x2f: {  	lr =	sadd.s32 s0, s3;
	s0 =	sld [smem:$0x3F9F]  }
0x30: {  	s3 =	sld [smem:$0x3FA2]  }
0x31: {  	[smem:$0x3FAB] =	sst s10  }
0x32: {  	s10 =	sld [smem:$0x3FA9];
	_ =	sdelay $0x3  }
0x33: {  	p0 =	seq.s32 s10, $0x1;
	s10 =	sld [smem:$0x3FAB];
	_ =	sdelay $0x3  }
0x34: {  	[smem:$0x3FAB] =	sst s10  }
0x35: {  	s10 =	sld [smem:$0x3FAA];
	_ =	sdelay $0x3  }
0x36: {  	p1 =	seq.s32 s10, $0x1;
	s10 =	sld [smem:$0x3FAB];
	_ =	sdelay $0x3  }
0x37: {  	[smem:$0x3FAB] =	sst s10  }
0x38: {  	s10 =	sld [smem:$0x3FAC]  }
0x39: {  	_ = 	snop;
	(pc) =	sbr.ind lr, $3  }
0x3a: {  	_ = 	snop  }
0x3b: {  	_ = 	snop  }
0x3c: {  	p2 =	seq.s32 s10, $0x1;
	s10 =	sld [smem:$0x3FAB]  }
0x3d: {  	_ =	shalt  }
0x3e: {  	_ =	shalt  }
0x3f: {  	_ =	shalt  }
0x40: {  	_ =	shalt  }
0x41: {  	_ =	shalt  }
0x42: {  	_ =	shalt  }
0x43: {  	_ =	shalt  }
0x44: {  	_ =	shalt  }
0x45: {  	_ =	shalt  }
0x46: {  	_ =	shalt  }
0x47: {  	_ =	shalt  }
0x48: {  	_ =	shalt  }
0x49: {  	_ =	shalt  }
0x4a: {  	_ =	shalt  }
0x4b: {  	_ =	shalt  }
0x4c: {  	_ =	shalt  }
0x4d: {  	_ =	shalt  }
0x4e: {  	_ =	shalt  }
0x4f: {  	_ =	shalt  }
0x50: {  	_ =	shalt  }
0x51: {  	_ =	shalt  }
0x52: {  	_ =	shalt  }
0x53: {  	_ =	shalt  }
0x54: {  	_ =	shalt  }
0x55: {  	_ =	shalt  }
0x56: {  	_ =	shalt  }
0x57: {  	_ =	shalt  }
0x58: {  	_ =	shalt  }
0x59: {  	_ =	shalt  }
0x5a: {  	_ =	shalt  }
0x5b: {  	_ =	shalt  }
0x5c: {  	_ =	shalt  }
0x5d: {  	_ =	shalt  }
0x5e: {  	_ =	shalt  }
0x5f: {  	_ =	shalt  }
0x60: {  	_ =	shalt  }
0x61: {  	_ =	shalt  }
0x62: {  	_ =	shalt  }
0x63: {  	_ =	shalt  }
0x64: {  	_ =	shalt  }
0x65: {  	_ =	shalt  }
0x66: {  	_ =	shalt  }
0x67: {  	_ =	shalt  }
0x68: {  	_ =	shalt  }
0x69: {  	_ =	shalt  }
0x6a: {  	_ =	shalt  }
0x6b: {  	_ =	shalt  }
0x6c: {  	_ =	shalt  }
0x6d: {  	_ =	shalt  }
0x6e: {  	_ =	shalt  }
0x6f: {  	_ =	shalt  }
0x70: {  	_ =	shalt  }
0x71: {  	_ =	shalt  }
0x72: {  	_ =	shalt  }
0x73: {  	_ =	shalt  }
0x74: {  	_ =	shalt  }
0x75: {  	_ =	shalt  }
0x76: {  	_ =	shalt  }
0x77: {  	_ =	shalt  }
0x78: {  	_ =	shalt  }
0x79: {  	_ =	shalt  }
0x7a: {  	_ =	shalt  }
0x7b: {  	_ =	shalt  }
0x7c: {  	_ =	shalt  }
0x7d: {  	_ =	shalt  }
0x7e: {  	_ =	shalt  }
0x7f: {  	_ =	shalt  }
0x80: {  	_ =	shalt  }
0x81: {  	_ =	shalt  }
0x82: {  	_ =	shalt  }
0x83: {  	_ =	shalt  }
0x84: {  	_ =	shalt  }
0x85: {  	_ =	shalt  }
0x86: {  	_ =	shalt  }
0x87: {  	_ =	shalt  }
.Lfunc_end0:
.L_simem_size_0:
called_computation.1_lowered:
.L_overlay_start_0:
0x88: {  	s2 =	sld [smem:$0x3FD9]  }
0x89: {  	s3 =	sld [smem:$0x3FFE];
	_ =	sdelay $0x1  }
0x8a: {  	s1 =	srdreg.scid  }
0x8b: {  	s0 =	sand.u32 $0x1, s1  }
0x8c: {  	s14 =	sshll.u32 s0, $0xA;
	s2 =	sadd.s32 s3, s2  }
0x8d: {  	s2 =	sadd.s32 s2, s14  }
0x8e: {  	[smem:$0x3FB7] =	sst s2  }
0x8f: {  	_ = 	snop  }
0x90: {  	s2 =	sld [smem:$0x3FD0];
	_ =	sdelay $0x2  }
0x91: {  	s15 =	simm.s32 $0xA;
	s4 =	simm.s32 $0x10  }
0x92: {  	[smem:s4], [sflag:s15] =	dma.local [hbm:s2], $0x1  }
0x93: {  	_ =	swait.eq [sflag:s15], $0x1  }
0x94: {  	[sflag:s15] =	ssyncset.done $0x0  }
0x95: {  	s16 =	sld [smem:$0x10];
	[sflag:s15] =	ssyncadd.s32 $0xFFFFFFFF  }
0x96: {  	s17 =	sld [smem:$0x11];
	(tm) =	ssettm $0x1  }
0x97: {  	s18 =	sld [smem:$0x3FFB];
	_ =	sdelay $0x3  }
0x98: {  	_ =	strace s18  }
0x99: {  	s4 =	sld [smem:$0x3FFC];
	_ =	sdelay $0x3  }
0x9a: {  	_ =	strace s4  }
0x9b: {  	s4 =	sld [smem:$0x3FFD];
	_ =	sdelay $0x3  }
0x9c: {  	_ =	strace s4  }
0x9d: {  	_ =	strace $0x8FFFFFFF  }
0x9e: {  	s19 =	sld [smem:$0x3FDB];
	_ =	sdelay $0x1  }
0x9f: {  	s5 =	simm.s32 $_scs_section_size  }
0xa0: {  	s6 =	simm.s32 $_size__tile_overlayer_lowered;
	s7 =	simm.s32 $_tile_overlayer_lowered  }
0xa1: {  	s22 =	simm.s32 $0x1BFF;
	s21 =	sshll.u32 s7, $0x1;
	s4 =	sadd.s32 s5, s19  }
0xa2: {  	s8 =	simm.s32 $0x0;
	s20 =	sshll.u32 s6, $0x1;
	s6 =	sadd.s32 s21, s4  }
0xa3: {  	[timem:s8], [sflag:s22] =	dma.local [hbm:s6], s20  }
0xa4: {  	_ =	swait.ge [sflag:s22], s20  }
0xa5: {  	s5 =	ssub.s32 $0x0, s20;
	[sflag:s22] =	ssyncset.done $0x0  }
0xa6: {  	[sflag:s22] =	ssyncadd.s32 s5;
	_ =	sdelay $0x1  }
0xa7: {  	s23 =	simm.s32 $0x1B8B  }
0xa8: {  	_ =	swait.ge [sflag:s23], $0x1  }
0xa9: {  	[sflag:s23] =	ssyncset.done $0x0  }
0xaa: {  	s25 =	simm.s32 $0x1B8E;
	s24 =	sld [smem:$0x3FFE];
	[sflag:s23] =	ssyncadd.s32 $0xFFFFFFFF  }
0xab: {  	s26 =	simm.s32 $execute0_lowered;
	[smem:$0x3FD2] =	sst s25  }
0xac: {  	s6 =	sshll.u32 s26, $0x1;
	_ =	strace $0x80000049;
	[dreg:$0x1] =	wrdreg $0xFFFFFFFF  }
0xad: {  	s28 =	simm.s32 $_size_execute0_lowered;
	s4 =	sadd.s32 s4, s6;
	[dreg:$0x0] =	wrdreg $0x0  }
0xae: {  	s6 =	sshll.u32 s28, $0x1;
	[dreg:$0x2] =	wrdreg s4  }
0xaf: {  	[dreg:$0x3] =	wrdreg s6  }
0xb0: {  	[dreg:$0x4] =	wrdreg $0xC0  }
0xb1: {  	_ =	task [dreg:s8], $0x5FFFF  }
0xb2: {  	[dreg:$0x1] =	wrdreg $0xFFFFFFFF  }
0xb3: {  	[dreg:$0x0] =	wrdreg $0x60  }
0xb4: {  	[dreg:$0x2] =	wrdreg s24  }
0xb5: {  	[dreg:$0x3] =	wrdreg s16  }
0xb6: {  	[dreg:$0x4] =	wrdreg s17  }
0xb7: {  	[dreg:$0x5] =	wrdreg $0x9  }
0xb8: {  	_ =	task.clear_ibuf [dreg:s8], $0x6FFFF;
	_ =	strace $0x90000049  }
0xb9: {  	s29 =	simm.s32 $0x9;
	_ =	strace $0x8000004B  }
0xba: {  	_ =	swait.ge [sflag:s29], $0x1  }
0xbb: {  	[sflag:s29] =	ssyncadd.s32 $0xFFFFFFFF  }
0xbc: {  	_ =	strace $0x9000004B  }
0xbd: {  	_ =	sfence  }
0xbe: {  	s30 =	sld [smem:$0x0];
	_ =	sdelay $0x2  }
0xbf: {  	s31 =	sshll.u32 s1, $0xD;
	s1 =	sshrl.u32 s1, $0x2  }
0xc0: {  	s3 =	sand.u32 $0x4000, s31;
	s1 =	sadd.s32 s1, s30  }
0xc1: {  	s0 =	sor.u32 s3, s0;
	s1 =	sshll.u32 s1, $0x11  }
0xc2: {  	s0 =	sor.u32 s1, s0  }
0xc3: {  	s0 =	sadd.s32 $0x8F2B, s0  }
0xc4: {  	[sflag:s0] =	ssyncadd.remote.s32 $0x1  }
0xc5: {  	_ =	sfence.sel $0xFFFF  }
0xc6: {  	[dreg:$0x0] =	wrdreg $0xFFFFFFFF;
	(pc) =	sbr.abs _section_cstart, $3  }
0xc7: {  	[dreg:$0x1] =	wrdreg $0xFFFFFFFF  }
0xc8: {  	_ =	task.clear_ibuf [dreg:s8], $0x2FFFF;
	_ =	strace $0x9FFFFFFF  }
0xc9: {  	(tm) =	ssettm $0x7FFFFFFF  }
tec
execute0_lowered:
.L_overlay_start_1:
0x0: {  	(tag) =	ssettag $0x1  }
0x1: {  	s21 =	rddreg [dreg:$0x0];
	s1 =	srdreg.scid  }
0x2: {  	s4 =	rddreg [dreg:$0x1];
	s0 =	stileid.u32;
	s5 =	sand.u32 $0x1, s1  }
0x3: {  	s6 =	rddreg [dreg:$0x2];
	s3 =	sshll.u32 s0, $0x4;
	s7 =	sshll.u32 s5, $0x3  }
0x4: {  	s2 =	simm.s32 $0x0;
	s1 =	rddreg [dreg:$0x3];
	s7 =	sor.u32 s7, s3  }
0x5: {  	[smem:$0x7FF] =	sst s2;
	s13 =	sadd.s32 s7, s21  }
0x6: {  	_ =	strace $0x8000004A;
	s3 =	simm.s32 $0x2;
	s8 =	sadd.s32 $0x20800, s13  }
0x7: {  	[tilespmem:s2], [sflag:$0x2] =	stream.linear.gather [hbm4b:s8+s2], $0x40, $0x38;
	[tilespmem:$0x580] =	vst v63  }
0x8: {  	_ =	swait.ge [sflag:s3], $0x40  }
0x9: {  	[sflag:s3] =	ssyncset.done $0x0  }
0xa: {  	s10 =	simm.s32 $0x80;
	s9 =	sadd.s32 $0x20A00, s13;
	[sflag:s3] =	ssyncadd.s32 $0xFFFFFFC0  }
0xb: {  	[tilespmem:s10], [sflag:$0x2] =	stream.linear.gather [hbm4b:s9+s2], $0x40, $0x38;
	[tilespmem:$0x580] =	vst v63  }
0xc: {  	_ =	swait.ge [sflag:s3], $0x40  }
0xd: {  	[sflag:s3] =	ssyncset.done $0x0  }
0xe: {  	s12 =	simm.s32 $0x100;
	s11 =	sadd.s32 $0x70C00, s13;
	[sflag:s3] =	ssyncadd.s32 $0xFFFFFFC0  }
0xf: {  	[tilespmem:s12], [sflag:$0x2] =	stream.linear.gather [hbm4b:s11+s2], $0x40, $0x38;
	[tilespmem:$0x580] =	vst v63  }
0x10: {  	_ =	swait.ge [sflag:s3], $0x40  }
0x11: {  	[sflag:s3] =	ssyncset.done $0x0  }
0x12: {  	s14 =	simm.s32 $0x180;
	s13 =	sadd.s32 $0x70E00, s13;
	[sflag:s3] =	ssyncadd.s32 $0xFFFFFFC0  }
0x13: {  	[tilespmem:s14], [sflag:$0x2] =	stream.linear.gather [hbm4b:s13+s2], $0x40, $0x38;
	[tilespmem:$0x580] =	vst v63  }
0x14: {  	_ =	swait.ge [sflag:s3], $0x40  }
0x15: {  	[sflag:s3] =	ssyncset.done $0x0  }
0x16: {  	s16 =	simm.s32 $0x200;
	s15 =	sadd.s32 $0x71000, s21;
	[sflag:s3] =	ssyncadd.s32 $0xFFFFFFC0  }
0x17: {  	[tilespmem:s16], [sflag:$0x2] =	stream.linear.gather [hbm4b:s15+s2], $0x80, $0x38;
	[tilespmem:$0x580] =	vst v63  }
0x18: {  	_ =	swait.ge [sflag:s3], $0x80  }
0x19: {  	s18 =	simm.s32 $0x40;
	[sflag:s3] =	ssyncset.done $0x0  }
0x1a: {  	s19 =	simm.s32 $0x280;
	s17 =	sadd.s32 $0x800, s21;
	[sflag:s3] =	ssyncadd.s32 $0xFFFFFF80  }
0x1b: {  	[tilespmem:s19], [sflag:$0x1] =	stream.indirect.gather [hbm4b:s17+s18], $0x1, s2, s18, $0xb8;
	[tilespmem:$0x580] =	vst v63  }
0x1c: {  	s20 =	simm.s32 $0x300  }
0x1d: {  	[tilespmem:s20], [sflag:$0x1] =	stream.indirect.gather [hbm4b:s17+s18], $0x1, s10, s18, $0xb8;
	[tilespmem:$0x580] =	vst v63  }
0x1e: {  	s22 =	simm.s32 $0x380;
	s21 =	sadd.s32 $0xC00, s21  }
0x1f: {  	[tilespmem:s22], [sflag:$0x1] =	stream.indirect.gather [hbm4b:s21+s18], $0x1, s2, s18, $0xb8;
	[tilespmem:$0x580] =	vst v63  }
0x20: {  	s23 =	simm.s32 $0x400;
	s24 =	simm.s32 $0x1  }
0x21: {  	[tilespmem:s23], [sflag:$0x1] =	stream.indirect.gather [hbm4b:s21+s18], $0x1, s10, s18, $0xb8;
	[tilespmem:$0x580] =	vst v63  }
0x22: {  	_ =	swait.ge [sflag:s24], $0x40  }
0x23: {  	[sflag:s24] =	ssyncset.done $0x0  }
0x24: {  	[sflag:s24] =	ssyncadd.s32 $0xFFFFFFC0  }
0x25: {  	_ =	swait.ge [sflag:s24], $0x40  }
0x26: {  	[sflag:s24] =	ssyncset.done $0x0  }
0x27: {  	[sflag:s24] =	ssyncadd.s32 $0xFFFFFFC0  }
0x28: {  	_ =	swait.ge [sflag:s24], $0x40  }
0x29: {  	[sflag:s24] =	ssyncset.done $0x0  }
0x2a: {  	[sflag:s24] =	ssyncadd.s32 $0xFFFFFFC0  }
0x2b: {  	_ =	swait.ge [sflag:s24], $0x40  }
0x2c: {  	[sflag:s24] =	ssyncset.done $0x0  }
0x2d: {  	[sflag:s24] =	ssyncadd.s32 $0xFFFFFFC0  }
0x2e: {  	v7 =	vld [tilespmem:$0x380]  }
0x2f: {  	v0 =	vld [tilespmem:$0x320]  }
0x30: {  	v6 =	vld [tilespmem:$0x210]  }
0x31: {  	v1 =	vld [tilespmem:$0x2A0]  }
0x32: {  	s5 =	ssub.s32 $0x2, s5;
	v5 =	vld [tilespmem:$0x420]  }
0x33: {  	s25 =	sshrl.u32 s5, $0x1;
	v9 =	vld [tilespmem:$0x3A0]  }
0x34: {  	s5 =	ssub.s32 s5, s25;
	v8 =	vld [tilespmem:$0x1A0]  }
0x35: {  	s25 =	smax.u32 s5, $0x1;
	v12 =	vld [tilespmem:$0x120]  }
0x36: {  	p0 =	sne.s32 s25, $0x1;
	v10 =	vld [tilespmem:$0x400]  }
.Ltmp0:
0x37: {  	v2 =	vld [tilespmem:$0x190];
	(pc) =	sbr.rel @!p0 .LBB2_2-.Ltmp0, $4  }
0x38: {  	v3 =	vld [tilespmem:$0x180]  }
0x39: {  	v4 =	vld [tilespmem:$0x100]  }
0x3a: {  	s5 =	sadd.s32 s4, s7;
	s4 =	sadd.s32 s6, s7;
	v11 =	vld [tilespmem:$0x430];
	v0 =	vmul.f32 v0, v8;
	v8 =	vmul.f32 v5, v8  }
0x3b: {  	s7 =	simm.s32 $0x480;
	s6 =	simm.s32 $0x500;
	s25 =	sadd.s32 $0xFFFFFFFF, s25;
	v1 =	vmul.f32 v1, v12;
	v9 =	vmul.f32 v9, v12;
	v5 =	vld [tilespmem:$0x1B0]  }
.LBB2_1:
0x3c: {  	p0 =	sne.s32 s25, $0x1;
	s25 =	sadd.s32 $0xFFFFFFFF, s25;
	v12 =	vld [tilespmem:$0x130]  }
0x3d: {  	v10 =	vmul.f32 v10, v3;
	v13 =	vld [tilespmem:$0x3B0]  }
0x3e: {  	v7 =	vmul.f32 v7, v4  }
0x3f: {  	v14 =	vld [tilespmem:$0x410]  }
0x40: {  	v7 =	vadd.f32 v10, v7;
	v10 =	vld [tilespmem:$0x110]  }
0x41: {  	v15 =	vld [tilespmem:$0x390]  }
0x42: {  	v11 =	vmul.f32 v11, v5;
	v7 =	vadd.f32 v7, v6;
	v13 =	vmul.f32 v13, v12;
	_ =	sdelay $0x1  }
0x43: {  	v7 =	vsub.f32 $0.0e+00, v7;
	v11 =	vadd.f32 v11, v13  }
0x44: {  	v13 =	vmul.f32 v14, v2  }
0x45: {  	v7 =	vmul.f32 $1.442695020e+00, v7;
	v14 =	vmul.f32 v15, v10;
	v11 =	vadd.f32 v11, v6;
	_ =	sdelay $0x1  }
0x46: {  	v13 =	vadd.f32 v13, v14;
	v11 =	vsub.f32 $0.0e+00, v11;
	(erf) = vpow2.f32 v7  }
0x47: {  	v7 =	vadd.f32 v8, v9  }
0x48: {  	v8 =	vadd.f32 v13, v6;
	v9 =	vmul.f32 $1.442695020e+00, v11  }
0x49: {  	v6 =	vadd.f32 v7, v6  }
0x4a: {  	v7 =	vsub.f32 $0.0e+00, v8;
	(erf) = vpow2.f32 v9  }
0x4b: {  	v6 =	vsub.f32 $0.0e+00, v6  }
0x4c: {  	v8 =	vmul.f32 $1.442695020e+00, v7  }
0x4d: {  	v6 =	vmul.f32 $1.442695020e+00, v6  }
0x4e: {  	(erf) = vpow2.f32 v8  }
0x4f: {  	v7 =	vpop (erf);
	(erf) = vpow2.f32 v6  }
0x50: {  	v6 =	vadd.f32 $1.000000000e+00, v7;
	_ =	sdelay $0x1  }
0x51: {  	(erf) = vrcp.f32 v6  }
0x52: {  	v6 =	vld [tilespmem:$0x290];
	v7 =	vpop (erf)  }
0x53: {  	v8 =	vld [tilespmem:$0x330];
	v7 =	vadd.f32 $1.000000000e+00, v7  }
0x54: {  	v9 =	vld [tilespmem:$0x2B0]  }
0x55: {  	v11 =	vld [tilespmem:$0x300];
	(erf) = vrcp.f32 v7  }
0x56: {  	v7 =	vld [tilespmem:$0x280];
	v13 =	vpop (erf)  }
0x57: {  	v14 =	vld [tilespmem:$0x310];
	v13 =	vadd.f32 $1.000000000e+00, v13;
	v15 =	vpop (erf)  }
0x58: {  	v16 =	vld [tilespmem:$0x200];
	v15 =	vadd.f32 $1.000000000e+00, v15;
	v5 =	vmul.f32 v8, v5  }
0x59: {  	v8 =	vmul.f32 v9, v12;
	(erf) = vrcp.f32 v13  }
0x5a: {  	v9 =	vpop (erf);
	(erf) = vrcp.f32 v15  }
0x5b: {  	v3 =	vmul.f32 v11, v3;
	v4 =	vmul.f32 v7, v4;
	[tilespmem:$0x500] =	vst v9;
	v5 =	vadd.f32 v5, v8  }
0x5c: {  	v2 =	vmul.f32 v14, v2  }
0x5d: {  	v3 =	vadd.f32 v3, v4;
	v4 =	vmul.f32 v6, v10;
	v5 =	vadd.f32 v5, v16  }
0x5e: {  	v6 =	vpop (erf)  }
0x5f: {  	v3 =	vadd.f32 v3, v16;
	v2 =	vadd.f32 v2, v4;
	[tilespmem:$0x4B0] =	vst v5  }
0x60: {  	[tilespmem:$0x530] =	vst v6  }
0x61: {  	[tilespmem:$0x480] =	vst v3;
	v3 =	vadd.f32 v2, v16  }
0x62: {  	v0 =	vadd.f32 v0, v1;
	v1 =	vpop (erf)  }
0x63: {  	[tilespmem:$0x490] =	vst v3;
	v2 =	vpop (erf)  }
0x64: {  	v0 =	vadd.f32 v0, v16;
	[tilespmem:$0x510] =	vst v1  }
0x65: {  	[tilespmem:$0x520] =	vst v2  }
0x66: {  	[tilespmem:$0x4A0] =	vst v0  }
0x67: {  	[hbm4b:s5+s2] =	stream.linear.scatter [tilespmem:s7], [sflag:$0x2], $0x40, $0x38;
	[tilespmem:$0x580] =	vst v63  }
0x68: {  	_ =	swait.ge [sflag:s3], $0x40  }
0x69: {  	[sflag:s3] =	ssyncset.done $0x0  }
0x6a: {  	[sflag:s3] =	ssyncadd.s32 $0xFFFFFFC0  }
0x6b: {  	[hbm4b:s4+s2] =	stream.linear.scatter [tilespmem:s6], [sflag:$0x2], $0x40, $0x38;
	[tilespmem:$0x580] =	vst v63  }
0x6c: {  	_ =	swait.ge [sflag:s3], $0x40  }
0x6d: {  	[sflag:s3] =	ssyncset.done $0x0  }
0x6e: {  	[sflag:s3] =	ssyncadd.s32 $0xFFFFFFC0  }
0x6f: {  	[tilespmem:s2], [sflag:$0x2] =	stream.linear.gather [hbm4b:s8+s2], $0x40, $0x38;
	[tilespmem:$0x580] =	vst v63  }
0x70: {  	_ =	swait.ge [sflag:s3], $0x40  }
0x71: {  	[sflag:s3] =	ssyncset.done $0x0  }
0x72: {  	[sflag:s3] =	ssyncadd.s32 $0xFFFFFFC0  }
0x73: {  	[tilespmem:s10], [sflag:$0x2] =	stream.linear.gather [hbm4b:s9+s2], $0x40, $0x38;
	[tilespmem:$0x580] =	vst v63  }
0x74: {  	_ =	swait.ge [sflag:s3], $0x40  }
0x75: {  	[sflag:s3] =	ssyncset.done $0x0  }
0x76: {  	[sflag:s3] =	ssyncadd.s32 $0xFFFFFFC0  }
0x77: {  	[tilespmem:s12], [sflag:$0x2] =	stream.linear.gather [hbm4b:s11+s2], $0x40, $0x38;
	[tilespmem:$0x580] =	vst v63  }
0x78: {  	_ =	swait.ge [sflag:s3], $0x40  }
0x79: {  	[sflag:s3] =	ssyncset.done $0x0  }
0x7a: {  	[sflag:s3] =	ssyncadd.s32 $0xFFFFFFC0  }
0x7b: {  	[tilespmem:s14], [sflag:$0x2] =	stream.linear.gather [hbm4b:s13+s2], $0x40, $0x38;
	[tilespmem:$0x580] =	vst v63  }
0x7c: {  	_ =	swait.ge [sflag:s3], $0x40  }
0x7d: {  	[sflag:s3] =	ssyncset.done $0x0  }
0x7e: {  	[sflag:s3] =	ssyncadd.s32 $0xFFFFFFC0  }
0x7f: {  	[tilespmem:s16], [sflag:$0x2] =	stream.linear.gather [hbm4b:s15+s2], $0x80, $0x38;
	[tilespmem:$0x580] =	vst v63  }
0x80: {  	_ =	swait.ge [sflag:s3], $0x80  }
0x81: {  	[sflag:s3] =	ssyncset.done $0x0  }
0x82: {  	[sflag:s3] =	ssyncadd.s32 $0xFFFFFF80  }
0x83: {  	[tilespmem:s19], [sflag:$0x1] =	stream.indirect.gather [hbm4b:s17+s18], $0x1, s2, s18, $0xb8;
	[tilespmem:$0x580] =	vst v63  }
0x84: {  	_ = 	snop  }
0x85: {  	[tilespmem:s20], [sflag:$0x1] =	stream.indirect.gather [hbm4b:s17+s18], $0x1, s10, s18, $0xb8;
	[tilespmem:$0x580] =	vst v63  }
0x86: {  	_ = 	snop  }
0x87: {  	[tilespmem:s22], [sflag:$0x1] =	stream.indirect.gather [hbm4b:s21+s18], $0x1, s2, s18, $0xb8;
	[tilespmem:$0x580] =	vst v63  }
0x88: {  	_ = 	snop  }
0x89: {  	[tilespmem:s23], [sflag:$0x1] =	stream.indirect.gather [hbm4b:s21+s18], $0x1, s10, s18, $0xb8;
	[tilespmem:$0x580] =	vst v63  }
0x8a: {  	_ =	swait.ge [sflag:s24], $0x40  }
0x8b: {  	[sflag:s24] =	ssyncset.done $0x0  }
0x8c: {  	[sflag:s24] =	ssyncadd.s32 $0xFFFFFFC0  }
0x8d: {  	_ =	swait.ge [sflag:s24], $0x40  }
0x8e: {  	[sflag:s24] =	ssyncset.done $0x0  }
0x8f: {  	[sflag:s24] =	ssyncadd.s32 $0xFFFFFFC0  }
0x90: {  	_ =	swait.ge [sflag:s24], $0x40  }
0x91: {  	[sflag:s24] =	ssyncset.done $0x0  }
0x92: {  	[sflag:s24] =	ssyncadd.s32 $0xFFFFFFC0  }
0x93: {  	_ =	swait.ge [sflag:s24], $0x40  }
0x94: {  	[sflag:s24] =	ssyncset.done $0x0  }
0x95: {  	[sflag:s24] =	ssyncadd.s32 $0xFFFFFFC0  }
0x96: {  	v7 =	vld [tilespmem:$0x380]  }
0x97: {  	v0 =	vld [tilespmem:$0x320]  }
0x98: {  	v6 =	vld [tilespmem:$0x210]  }
0x99: {  	v1 =	vld [tilespmem:$0x2A0]  }
0x9a: {  	v5 =	vld [tilespmem:$0x420]  }
0x9b: {  	v9 =	vld [tilespmem:$0x3A0]  }
0x9c: {  	v8 =	vld [tilespmem:$0x1A0]  }
0x9d: {  	v11 =	vld [tilespmem:$0x120]  }
0x9e: {  	v10 =	vld [tilespmem:$0x400]  }
.Ltmp1:
0x9f: {  	v2 =	vld [tilespmem:$0x190];
	(pc) =	sbr.rel @p0 .LBB2_1-.Ltmp1, $4  }
0xa0: {  	v3 =	vld [tilespmem:$0x180]  }
0xa1: {  	v4 =	vld [tilespmem:$0x100];
	v0 =	vmul.f32 v0, v8;
	v8 =	vmul.f32 v5, v8  }
0xa2: {  	v1 =	vmul.f32 v1, v11;
	v9 =	vmul.f32 v9, v11;
	v11 =	vld [tilespmem:$0x430]  }
0xa3: {  	v5 =	vld [tilespmem:$0x1B0]  }
.LBB2_2:
0xa4: {  	v12 =	vld [tilespmem:$0x130]  }
0xa5: {  	v13 =	vld [tilespmem:$0x3B0]  }
0xa6: {  	v14 =	vld [tilespmem:$0x410]  }
0xa7: {  	v15 =	vld [tilespmem:$0x110]  }
0xa8: {  	v16 =	vld [tilespmem:$0x390];
	_ =	sdelay $0x2  }
0xa9: {  	v10 =	vmul.f32 v10, v3;
	v7 =	vmul.f32 v7, v4  }
0xaa: {  	v11 =	vmul.f32 v11, v5;
	v34 =	vmul.f32 v13, v12  }
0xab: {  	v7 =	vadd.f32 v10, v7;
	v35 =	vmul.f32 v14, v2;
	v36 =	vmul.f32 v16, v15  }
0xac: {  	v10 =	vadd.f32 v11, v34  }
0xad: {  	v7 =	vadd.f32 v7, v6;
	v11 =	vadd.f32 v35, v36  }
0xae: {  	v8 =	vadd.f32 v8, v9;
	v10 =	vadd.f32 v10, v6  }
0xaf: {  	v7 =	vsub.f32 $0.0e+00, v7;
	v37 =	vadd.f32 v11, v6  }
0xb0: {  	v39 =	vadd.f32 v8, v6;
	v10 =	vsub.f32 $0.0e+00, v10  }
0xb1: {  	v7 =	vmul.f32 $1.442695020e+00, v7;
	v40 =	vsub.f32 $0.0e+00, v37  }
0xb2: {  	v6 =	vsub.f32 $0.0e+00, v39;
	v38 =	vmul.f32 $1.442695020e+00, v10  }
0xb3: {  	(erf) = vpow2.f32 v7;
	v41 =	vmul.f32 $1.442695020e+00, v40  }
0xb4: {  	v6 =	vmul.f32 $1.442695020e+00, v6;
	(erf) = vpow2.f32 v38  }
0xb5: {  	(erf) = vpow2.f32 v41  }
0xb6: {  	(erf) = vpow2.f32 v6;
	_ =	sdelay $0x1  }
0xb7: {  	v45 =	vld [tilespmem:$0x330]  }
0xb8: {  	v47 =	vld [tilespmem:$0x2B0]  }
0xb9: {  	v49 =	vld [tilespmem:$0x280]  }
0xba: {  	v48 =	vld [tilespmem:$0x300]  }
0xbb: {  	v51 =	vld [tilespmem:$0x310];
	v42 =	vpop (erf)  }
0xbc: {  	v43 =	vld [tilespmem:$0x290];
	v6 =	vadd.f32 $1.000000000e+00, v42;
	v44 =	vpop (erf)  }
0xbd: {  	v53 =	vld [tilespmem:$0x200];
	v54 =	vmul.f32 v45, v5;
	v8 =	vmul.f32 v47, v12;
	v46 =	vadd.f32 $1.000000000e+00, v44;
	v50 =	vpop (erf)  }
0xbe: {  	v55 =	vmul.f32 v49, v4;
	(erf) = vrcp.f32 v6;
	v11 =	vadd.f32 $1.000000000e+00, v50;
	v52 =	vpop (erf)  }
0xbf: {  	v56 =	vmul.f32 v48, v3;
	(erf) = vrcp.f32 v46;
	v14 =	vadd.f32 $1.000000000e+00, v52  }
0xc0: {  	v0 =	vadd.f32 v0, v1;
	v57 =	vmul.f32 v51, v2;
	(erf) = vrcp.f32 v11  }
0xc1: {  	v58 =	vmul.f32 v43, v15;
	v5 =	vadd.f32 v54, v8;
	(erf) = vrcp.f32 v14  }
0xc2: {  	v0 =	vadd.f32 v0, v53;
	v3 =	vadd.f32 v56, v55  }
0xc3: {  	v2 =	vadd.f32 v57, v58;
	v60 =	vadd.f32 v5, v53  }
0xc4: {  	[tilespmem:$0x4A0] =	vst v0;
	v3 =	vadd.f32 v3, v53  }
0xc5: {  	v2 =	vadd.f32 v2, v53;
	[tilespmem:$0x4B0] =	vst v60  }
0xc6: {  	[tilespmem:$0x480] =	vst v3  }
0xc7: {  	[tilespmem:$0x490] =	vst v2;
	v59 =	vpop (erf)  }
0xc8: {  	[tilespmem:$0x500] =	vst v59;
	v61 =	vpop (erf)  }
0xc9: {  	[tilespmem:$0x530] =	vst v61;
	v62 =	vpop (erf)  }
0xca: {  	v63 =	vpop (erf);
	[tilespmem:$0x510] =	vst v62  }
0xcb: {  	[tilespmem:$0x520] =	vst v63  }
0xcc: {  	[hbm4b:s5+s2] =	stream.linear.scatter [tilespmem:s7], [sflag:$0x2], $0x40, $0x38;
	[tilespmem:$0x580] =	vst v63  }
0xcd: {  	_ =	swait.ge [sflag:s3], $0x40  }
0xce: {  	[sflag:s3] =	ssyncset.done $0x0  }
0xcf: {  	[sflag:s3] =	ssyncadd.s32 $0xFFFFFFC0  }
0xd0: {  	[hbm4b:s4+s2] =	stream.linear.scatter [tilespmem:s6], [sflag:$0x2], $0x40, $0x38;
	[tilespmem:$0x580] =	vst v63  }
0xd1: {  	_ =	swait.ge [sflag:s3], $0x40  }
0xd2: {  	[sflag:s3] =	ssyncset.done $0x0  }
0xd3: {  	[sflag:s3] =	ssyncadd.s32 $0xFFFFFFC0  }
0xd4: {  	_ =	sfence.sel $0x180000  }
0xd5: {  	[bflag:$0x0] =	sbarrier.arrive $0xFFFF  }
0xd6: {  	p0 =	sne.s32 s0, $0x0;
	_ =	strace $0x9000004A  }
0xd7: {  	s0 =	sadd.s32 @!p0 $0x100000, s1;
	[bflag:$0x2] =	sbarrier.arrive $0xFFFF  }
0xd8: {  	[sflag:s0] =	ssyncadd.tile.s32 @!p0 $0x1;
	_ =	shalt  }
.Lfunc_end2:
_tile_overlayer_lowered:
.L_overlay_start_2:
0xd9: {  	(tag) =	ssettag $0x2  }
0xda: {  	s0 =	rddreg [dreg:$0x0];
	s2 =	stileid.u32  }
0xdb: {  	s1 =	rddreg [dreg:$0x1];
	p0 =	sne.s32 s2, $0x0  }
0xdc: {  	s3 =	rddreg [dreg:$0x2];
	[bflag:$0x3] =	sbarrier.arrive $0xFFFF;
	s2 =	simm.s32 @!p0 $0x1C02  }
0xdd: {  	[timem:s3], [sflag:s2] =	dma.local @!p0 [hbm:s0], s1  }
0xde: {  	s0 =	simm.s32 @!p0 $0x2  }
0xdf: {  	_ =	swait.ge @!p0 [sflag:s0], s1  }
0xe0: {  	s1 =	ssub.s32 @!p0 $0x0, s1;
	[sflag:s0] =	ssyncset.done @!p0 $0x0  }
0xe1: {  	[sflag:s0] =	ssyncadd.s32 @!p0 s1  }
0xe2: {  	[bflag:$0x3] =	sbarrier.arrive $0xFFFF  }
0xe3: {  	_ =	shalt  }

</sc_bundles>
